<compile_context>
chip_gen: v7x
topology: tpu7x:2x2x1
jax: 0.10.2.dev20260603
libtpu: 0.0.44.dev20260713+nightly
codegen_flags: <defaults>
</compile_context>

<pallas_src>
import functools

import jax
import jax.numpy as jnp
from jax import lax
from jax.experimental import pallas as pl
from jax.experimental.pallas import tpu as pltpu
from jax.experimental.pallas import tpu_sc as plsc

_N = 10000
_E = 320000
_DIN = 128
_DH = 64
_NC = 2
_NS = 16
_NW = _NC * _NS
_EP = _E // _NW
_CH = 128
_NCH = -(-_EP // _CH)
_EPAD = _NCH * _CH
_NPAD = 10240
_SEG = _NPAD // _NS
_DW = 16

_mesh = plsc.VectorSubcoreMesh(core_axis_name="c", subcore_axis_name="s")


@functools.partial(
    pl.kernel,
    out_type=jax.ShapeDtypeStruct((_NC, _NPAD, _DW), jnp.float32),
    mesh=_mesh,
    scratch_types=[
        pltpu.VMEM((_NCH, _CH), jnp.int32),
        pltpu.VMEM((_CH, _DW), jnp.float32),
        pltpu.VMEM_SHARED((_NPAD, _DW), jnp.float32),
        pltpu.SemaphoreType.DMA,
    ],
    compiler_params=pltpu.CompilerParams(use_tc_tiling_on_sc=False),
)
def _degree(colp_hbm, ones_hbm, zeros_hbm, degp_hbm, coli_v, ones_v, acc_sh,
            ssem):
    cid = lax.axis_index("c")
    sid = lax.axis_index("s")
    gid = cid * _NS + sid
    pltpu.sync_copy(zeros_hbm, acc_sh.at[pl.ds(sid * _SEG, _SEG)])
    pltpu.sync_copy(colp_hbm.at[gid], coli_v)
    pltpu.sync_copy(ones_hbm, ones_v)
    plsc.subcore_barrier()

    @pl.loop(0, _NCH)
    def _fire(j):
        pltpu.async_copy(ones_v, acc_sh.at[coli_v.at[j]], ssem, add=True)

    @pl.loop(0, _NCH)
    def _drain(j):
        pltpu.make_async_copy(ones_v, acc_sh.at[coli_v.at[j]], ssem).wait()

    plsc.subcore_barrier()
    pltpu.sync_copy(acc_sh.at[pl.ds(sid * _SEG, _SEG)],
                    degp_hbm.at[cid, pl.ds(sid * _SEG, _SEG)])


@functools.partial(
    pl.kernel,
    out_type=jax.ShapeDtypeStruct((_NC, _NPAD, _DH), jnp.float32),
    mesh=_mesh,
    scratch_types=[
        pltpu.VMEM((_EPAD,), jnp.int32),
        pltpu.VMEM((_NCH, _CH), jnp.int32),
        pltpu.VMEM((2, _CH, _DH), jnp.float32),
        pltpu.VMEM_SHARED((_NPAD, _DH), jnp.float32),
        pltpu.SemaphoreType.DMA,
        [pltpu.SemaphoreType.DMA] * 2,
    ],
    compiler_params=pltpu.CompilerParams(use_tc_tiling_on_sc=False),
)
def _propagate(g_hbm, rowp_hbm, colp_hbm, zeros_hbm, out_hbm,
               rowi_v, coli_v, buf_v, acc_sh, gsem, ssems):
    cid = lax.axis_index("c")
    sid = lax.axis_index("s")
    gid = cid * _NS + sid
    pltpu.sync_copy(zeros_hbm, acc_sh.at[pl.ds(sid * _SEG, _SEG)])
    pltpu.sync_copy(rowp_hbm.at[gid], rowi_v)
    pltpu.sync_copy(colp_hbm.at[gid], coli_v)
    plsc.subcore_barrier()

    def _scatter(chunk, b):
        return pltpu.make_async_copy(
            buf_v.at[b], acc_sh.at[coli_v.at[chunk]], ssems[b])

    @pl.loop(0, _NCH - 1, step=2)
    def _step(j):
        for b in range(2):
            t = j + b
            pltpu.async_copy(g_hbm.at[rowi_v.at[pl.ds(t * _CH, _CH)]],
                             buf_v.at[b], gsem).wait()

            @pl.when(t >= 1)
            def _wait_prev():
                _scatter(t - 1, 1 - b).wait()

            _scatter(t, b).start(add=True)

    pltpu.async_copy(g_hbm.at[rowi_v.at[pl.ds((_NCH - 1) * _CH, _CH)]],
                     buf_v.at[0], gsem).wait()
    _scatter(_NCH - 2, 1).wait()
    _scatter(_NCH - 1, 0).start(add=True)
    _scatter(_NCH - 1, 0).wait()
    plsc.subcore_barrier()
    pltpu.sync_copy(acc_sh.at[pl.ds(sid * _SEG, _SEG)],
                    out_hbm.at[cid, pl.ds(sid * _SEG, _SEG)])


def _dis_from_degp(degp_ref):
    deg = degp_ref[0, : _N, 0:1] + degp_ref[1, : _N, 0:1] + 1.0
    return lax.rsqrt(deg)


def _tc_in_body(degp_ref, x_ref, w1_ref, g1_ref):
    dis = _dis_from_degp(degp_ref)
    h = jnp.dot(x_ref[:, :], w1_ref[:, :], preferred_element_type=jnp.float32)
    g1_ref[:, :] = h * dis


def _tc_mid_body(degp_ref, sp_ref, g1_ref, b1_ref, w2_ref, g2_ref):
    dis = _dis_from_degp(degp_ref)
    s = sp_ref[0, : _N, :] + sp_ref[1, : _N, :] + g1_ref[:, :]
    h1 = jnp.maximum(dis * s + b1_ref[:], 0.0)
    g2_ref[:, :] = jnp.dot(h1, w2_ref[:, :],
                           preferred_element_type=jnp.float32) * dis


def _tc_head_body(degp_ref, sp_ref, g2_ref, b2_ref, wc1_ref, bc1_ref,
                  wc2_ref, bc2_ref, out_ref):
    dis = _dis_from_degp(degp_ref)
    h2 = dis * (sp_ref[0, : _N, :] + sp_ref[1, : _N, :] + g2_ref[:, :]) + b2_ref[:]
    gm = jnp.mean(h2, axis=0, keepdims=True)
    gx = jnp.max(h2, axis=0, keepdims=True)
    rep = jnp.concatenate([gm, gx], axis=1)
    z = jnp.maximum(
        jnp.dot(rep, wc1_ref[:, :], preferred_element_type=jnp.float32)
        + bc1_ref[:], 0.0)
    o = (jnp.dot(z, wc2_ref[:, :], preferred_element_type=jnp.float32)
         + bc2_ref[:])
    out_ref[:, :] = jax.nn.sigmoid(o)


_tc_in = pl.pallas_call(
    _tc_in_body, out_shape=jax.ShapeDtypeStruct((_N, _DH), jnp.float32))
_tc_mid = pl.pallas_call(
    _tc_mid_body, out_shape=jax.ShapeDtypeStruct((_N, _DH), jnp.float32))
_tc_head = pl.pallas_call(
    _tc_head_body, out_shape=jax.ShapeDtypeStruct((1, 1), jnp.float32))


def kernel(x, edge_index, W1, b1, W2, b2, Wc1, bc1, Wc2, bc2):
    row = edge_index[0].reshape(_NW, _EP)
    col = edge_index[1].reshape(_NW, _EP)
    npadc = _EPAD - _EP
    padrows = _N + (jnp.arange(npadc, dtype=jnp.int32) % (_NPAD - _N))
    rowp = jnp.concatenate(
        [row, jnp.zeros((_NW, npadc), jnp.int32)], axis=1)
    colp = jnp.concatenate(
        [col, jnp.broadcast_to(padrows, (_NW, npadc))], axis=1)
    colp3 = colp.reshape(_NW, _NCH, _CH)
    ones_dw = jnp.ones((_CH, _DW), jnp.float32)
    zeros_dw = jnp.zeros((_SEG, _DW), jnp.float32)
    zeros_dh = jnp.zeros((_SEG, _DH), jnp.float32)

    degp = _degree(colp3, ones_dw, zeros_dw)
    g1 = _tc_in(degp, x, W1)
    s1p = _propagate(g1, rowp, colp3, zeros_dh)
    g2 = _tc_mid(degp, s1p, g1, b1, W2)
    s2p = _propagate(g2, rowp, colp3, zeros_dh)
    return _tc_head(degp, s2p, g2, b2, Wc1, bc1, Wc2, bc2)

# --- scband reference (transcript-rebuilt; emitter-appended) ---
"""Pipeline reference for scband-gnnnetwork-24060406792721 (READ-ONLY COPY).

The authoritative reference and input builder live on the scoring server;
editing this copy changes nothing except your own understanding.
"""

import jax, jax.numpy as jnp
import numpy as np

N = 10000
E = 320000
D_IN = 128
D_H = 64
D_OUT = 1


def setup_inputs(seed: int = 0) -> dict:
    key = jax.random.key(seed)
    ks = jax.random.split(key, 12)
    x = jax.random.normal(ks[0], (N, D_IN), dtype=jnp.float32)
    edge_index = jax.random.randint(ks[1], (2, E), 0, N, dtype=jnp.int32)
    # GCN layer params (glorot-ish scaling)
    W1 = jax.random.normal(ks[2], (D_IN, D_H), dtype=jnp.float32) * (1.0 / np.sqrt(D_IN))
    b1 = jnp.zeros((D_H,), dtype=jnp.float32)
    W2 = jax.random.normal(ks[3], (D_H, D_H), dtype=jnp.float32) * (1.0 / np.sqrt(D_H))
    b2 = jnp.zeros((D_H,), dtype=jnp.float32)
    # classifier: Linear(2*D_H -> D_H), ReLU, Linear(D_H -> D_OUT), Sigmoid
    Wc1 = jax.random.normal(ks[4], (2 * D_H, D_H), dtype=jnp.float32) * (1.0 / np.sqrt(2 * D_H))
    bc1 = jnp.zeros((D_H,), dtype=jnp.float32)
    Wc2 = jax.random.normal(ks[5], (D_H, D_OUT), dtype=jnp.float32) * (1.0 / np.sqrt(D_H))
    bc2 = jnp.zeros((D_OUT,), dtype=jnp.float32)
    return {"x": x, "edge_index": edge_index, "W1": W1, "b1": b1, "W2": W2, "b2": b2,
            "Wc1": Wc1, "bc1": bc1, "Wc2": Wc2, "bc2": bc2}


def _gcn_conv(x, edge_index, W, b):
    # PyG GCNConv semantics: add self-loops, symmetric normalization D^-1/2 (A+I) D^-1/2 x W + b
    h = x @ W
    row = edge_index[0]
    col = edge_index[1]
    loops = jnp.arange(N, dtype=row.dtype)
    row = jnp.concatenate([row, loops])
    col = jnp.concatenate([col, loops])
    deg = jnp.zeros((N,), dtype=h.dtype).at[col].add(1.0)
    deg_inv_sqrt = jnp.where(deg > 0, jax.lax.rsqrt(jnp.maximum(deg, 1e-12)), 0.0)
    norm = deg_inv_sqrt[row] * deg_inv_sqrt[col]
    msg = h[row] * norm[:, None]
    out = jnp.zeros_like(h).at[col].add(msg)
    return out + b


def reference(x, edge_index, W1, b1, W2, b2, Wc1, bc1, Wc2, bc2):
    # conv1 + relu (dropout is identity in eval)
    h = _gcn_conv(x, edge_index, W1, b1)
    h = jax.nn.relu(h)
    # conv2 (last layer: no activation)
    h = _gcn_conv(h, edge_index, W2, b2)
    # batch=None path: global mean/max pooling over all nodes
    graph_mean = jnp.mean(h, axis=0, keepdims=True)
    graph_max = jnp.max(h, axis=0, keepdims=True)
    graph_repr = jnp.concatenate([graph_mean, graph_max], axis=1)
    z = jax.nn.relu(graph_repr @ Wc1 + bc1)
    out = jax.nn.sigmoid(z @ Wc2 + bc2)
    return out

if __name__ == "__main__":
    import jax
    _d = setup_inputs()
    print(jax.jit(kernel)(*tuple(_d.values())))

</pallas_src>

<mosaic_0001>
#map = affine_map<(d0, d1) -> (0, 0, 0)>
#map1 = affine_map<(d0, d1) -> (0, 0)>
module attributes {stable_mosaic.version = 14 : i64} {
  func.func @_degree(%arg0: i32, %arg1: i32, %arg2: memref<32x79x128xi32, #tpu.memory_space<hbm>>, %arg3: memref<128x16xf32, #tpu.memory_space<hbm>>, %arg4: memref<640x16xf32, #tpu.memory_space<hbm>>, %arg5: memref<2x10240x16xf32, #tpu.memory_space<hbm>>, %arg6: memref<79x128xi32, #tpu.memory_space<vmem>>, %arg7: memref<128x16xf32, #tpu.memory_space<vmem>>, %arg8: memref<10240x16xf32, #tpu.memory_space<vmem_shared>>, %arg9: memref<!tpu.dma_semaphore, #tpu.memory_space<semaphore_mem>>) attributes {dimension_semantics = [#tpu.dimension_semantics<core_parallel>, #tpu.dimension_semantics<subcore_parallel>], iteration_bounds = array<i64: 2, 16>, scalar_prefetch = 0 : i64, scratch_operands = 4 : i64, tpu.core_type = #tpu.core_type<sc_vector_subcore>, window_params = [{transform_indices = #map}, {transform_indices = #map1}, {transform_indices = #map1}, {transform_indices = #map}]} {
    %mul3A = arith.constant 16 : i32
    %mul3A_0 = arith.muli %arg0, %mul3A : i32
    %add3A = arith.addi %mul3A_0, %arg1 : i32
    %mul3A_1 = arith.constant 640 : i32
    %mul3A_2 = arith.muli %arg1, %mul3A_1 : i32
    "tpu.region"() ({
      %run_scoped3A = tpu.sem_alloc : memref<!tpu.dma_semaphore, #tpu.memory_space<semaphore_mem>>
      %dma_start3A = arith.constant 0 : i32
      %dma_start3A_17 = tpu.memref_slice %arg8[%mul3A_2, %dma_start3A] : memref<10240x16xf32, #tpu.memory_space<vmem_shared>> -> memref<640x16xf32, #tpu.memory_space<vmem_shared>>
      tpu.enqueue_dma source(%arg4 : memref<640x16xf32, #tpu.memory_space<hbm>>) target(%dma_start3A_17 : memref<640x16xf32, #tpu.memory_space<vmem_shared>>) target_semaphore(%run_scoped3A : memref<!tpu.dma_semaphore, #tpu.memory_space<semaphore_mem>>)
      %dma_wait3A = arith.constant 0 : i32
      %dma_wait3A_18 = tpu.memref_slice %arg8[%mul3A_2, %dma_wait3A] : memref<10240x16xf32, #tpu.memory_space<vmem_shared>> -> memref<640x16xf32, #tpu.memory_space<vmem_shared>>
      tpu.wait_dma2 semaphore(%run_scoped3A : memref<!tpu.dma_semaphore, #tpu.memory_space<semaphore_mem>>) src(%arg4 : memref<640x16xf32, #tpu.memory_space<hbm>>) dst(%dma_wait3A_18 : memref<640x16xf32, #tpu.memory_space<vmem_shared>>)
      tpu.yield
    }) : () -> ()
    "tpu.region"() ({
      %run_scoped3A = tpu.sem_alloc : memref<!tpu.dma_semaphore, #tpu.memory_space<semaphore_mem>>
      %dma_start3A = arith.constant 0 : i32
      %dma_start3A_17 = arith.constant 0 : i32
      %dma_start3A_18 = tpu.memref_slice %arg2[%add3A, %dma_start3A, %dma_start3A_17] : memref<32x79x128xi32, #tpu.memory_space<hbm>> -> memref<1x79x128xi32, #tpu.memory_space<hbm>>
      %dma_start3A_19 = tpu.memref_squeeze %dma_start3A_18 : memref<1x79x128xi32, #tpu.memory_space<hbm>> -> memref<79x128xi32, #tpu.memory_space<hbm>>
      %dma_start3A_20 = arith.constant 0 : i32
      %dma_start3A_21 = arith.constant 0 : i32
      %dma_start3A_22 = tpu.memref_slice %arg2[%add3A, %dma_start3A_20, %dma_start3A_21] : memref<32x79x128xi32, #tpu.memory_space<hbm>> -> memref<1x79x128xi32, #tpu.memory_space<hbm>>
      %dma_start3A_23 = tpu.memref_squeeze %dma_start3A_22 : memref<1x79x128xi32, #tpu.memory_space<hbm>> -> memref<79x128xi32, #tpu.memory_space<hbm>>
      tpu.enqueue_dma source(%dma_start3A_23 : memref<79x128xi32, #tpu.memory_space<hbm>>) target(%arg6 : memref<79x128xi32, #tpu.memory_space<vmem>>) target_semaphore(%run_scoped3A : memref<!tpu.dma_semaphore, #tpu.memory_space<semaphore_mem>>)
      %dma_wait3A = arith.constant 0 : i32
      %dma_wait3A_24 = arith.constant 0 : i32
      %dma_wait3A_25 = tpu.memref_slice %arg2[%add3A, %dma_wait3A, %dma_wait3A_24] : memref<32x79x128xi32, #tpu.memory_space<hbm>> -> memref<1x79x128xi32, #tpu.memory_space<hbm>>
      %dma_wait3A_26 = tpu.memref_squeeze %dma_wait3A_25 : memref<1x79x128xi32, #tpu.memory_space<hbm>> -> memref<79x128xi32, #tpu.memory_space<hbm>>
      %dma_wait3A_27 = arith.constant 0 : i32
      %dma_wait3A_28 = arith.constant 0 : i32
      %dma_wait3A_29 = tpu.memref_slice %arg2[%add3A, %dma_wait3A_27, %dma_wait3A_28] : memref<32x79x128xi32, #tpu.memory_space<hbm>> -> memref<1x79x128xi32, #tpu.memory_space<hbm>>
      %dma_wait3A_30 = tpu.memref_squeeze %dma_wait3A_29 : memref<1x79x128xi32, #tpu.memory_space<hbm>> -> memref<79x128xi32, #tpu.memory_space<hbm>>
      tpu.wait_dma2 semaphore(%run_scoped3A : memref<!tpu.dma_semaphore, #tpu.memory_space<semaphore_mem>>) src(%dma_wait3A_30 : memref<79x128xi32, #tpu.memory_space<hbm>>) dst(%arg6 : memref<79x128xi32, #tpu.memory_space<vmem>>)
      tpu.yield
    }) : () -> ()
    "tpu.region"() ({
      %run_scoped3A = tpu.sem_alloc : memref<!tpu.dma_semaphore, #tpu.memory_space<semaphore_mem>>
      tpu.enqueue_dma source(%arg3 : memref<128x16xf32, #tpu.memory_space<hbm>>) target(%arg7 : memref<128x16xf32, #tpu.memory_space<vmem>>) target_semaphore(%run_scoped3A : memref<!tpu.dma_semaphore, #tpu.memory_space<semaphore_mem>>)
      tpu.wait_dma2 semaphore(%run_scoped3A : memref<!tpu.dma_semaphore, #tpu.memory_space<semaphore_mem>>) src(%arg3 : memref<128x16xf32, #tpu.memory_space<hbm>>) dst(%arg7 : memref<128x16xf32, #tpu.memory_space<vmem>>)
      tpu.yield
    }) : () -> ()
    %barrier3A = arith.constant 0 : index
    tpu.barrier barrier_id(%barrier3A)
    %scan3A = arith.constant 0 : i32
    %scan3A_3 = arith.constant 79 : i32
    %scan3A_4 = arith.addi %scan3A, %scan3A_3 : i32
    %scan3A_5 = arith.constant 1 : i32
    scf.for %scan3A_17 = %scan3A to %scan3A_4 step %scan3A_5  : i32 {
      %mul3A_18 = arith.constant 1 : i32
      %mul3A_19 = arith.muli %scan3A_17, %mul3A_18 : i32
      %add3A_20 = arith.constant 0 : i32
      %add3A_21 = arith.addi %add3A_20, %mul3A_19 : i32
      %dma_start3A = arith.constant 0 : i32
      %dma_start3A_22 = tpu.memref_slice %arg6[%add3A_21, %dma_start3A] : memref<79x128xi32, #tpu.memory_space<vmem>> -> memref<1x128xi32, #tpu.memory_space<vmem>>
      %dma_start3A_23 = tpu.memref_squeeze %dma_start3A_22 : memref<1x128xi32, #tpu.memory_space<vmem>> -> memref<128xi32, #tpu.memory_space<vmem>>
      %dma_start3A_24 = arith.constant 0 : i32
      %dma_start3A_25 = arith.constant 0 : i32
      %dma_start3A_26 = tpu.memref_slice %arg8[%dma_start3A_24, %dma_start3A_25] : memref<10240x16xf32, #tpu.memory_space<vmem_shared>> -> memref<10240x16xf32, #tpu.memory_space<vmem_shared>>
      tpu.enqueue_indirect_dma source(%arg7 : memref<128x16xf32, #tpu.memory_space<vmem>>) target(%dma_start3A_26 : memref<10240x16xf32, #tpu.memory_space<vmem_shared>>) offsets(%dma_start3A_23 : memref<128xi32, #tpu.memory_space<vmem>>) semaphore(%arg9 : memref<!tpu.dma_semaphore, #tpu.memory_space<semaphore_mem>>) {add = true}
    }
    %scan3A_6 = arith.constant 79 : i32
    %scan3A_7 = arith.constant 0 : i32
    %scan3A_8 = arith.constant 79 : i32
    %scan3A_9 = arith.addi %scan3A_7, %scan3A_8 : i32
    %scan3A_10 = arith.constant 1 : i32
    scf.for %scan3A_17 = %scan3A_7 to %scan3A_9 step %scan3A_10  : i32 {
      %mul3A_18 = arith.constant 1 : i32
      %mul3A_19 = arith.muli %scan3A_17, %mul3A_18 : i32
      %add3A_20 = arith.constant 0 : i32
      %add3A_21 = arith.addi %add3A_20, %mul3A_19 : i32
      %dma_wait3A = arith.constant 0 : i32
      %dma_wait3A_22 = tpu.memref_slice %arg6[%add3A_21, %dma_wait3A] : memref<79x128xi32, #tpu.memory_space<vmem>> -> memref<1x128xi32, #tpu.memory_space<vmem>>
      %dma_wait3A_23 = tpu.memref_squeeze %dma_wait3A_22 : memref<1x128xi32, #tpu.memory_space<vmem>> -> memref<128xi32, #tpu.memory_space<vmem>>
      %dma_wait3A_24 = arith.constant 0 : i32
      %dma_wait3A_25 = arith.constant 0 : i32
      %dma_wait3A_26 = tpu.memref_slice %arg8[%dma_wait3A_24, %dma_wait3A_25] : memref<10240x16xf32, #tpu.memory_space<vmem_shared>> -> memref<10240x16xf32, #tpu.memory_space<vmem_shared>>
      tpu.wait_indirect_dma semaphore(%arg9 : memref<!tpu.dma_semaphore, #tpu.memory_space<semaphore_mem>>) src(%arg7 : memref<128x16xf32, #tpu.memory_space<vmem>>) dst(%dma_wait3A_26 : memref<10240x16xf32, #tpu.memory_space<vmem_shared>>)
    }
    %scan3A_11 = arith.constant 79 : i32
    %barrier3A_12 = arith.constant 0 : index
    tpu.barrier barrier_id(%barrier3A_12)
    %mul3A_13 = arith.constant 640 : i32
    %mul3A_14 = arith.muli %arg1, %mul3A_13 : i32
    %mul3A_15 = arith.constant 640 : i32
    %mul3A_16 = arith.muli %arg1, %mul3A_15 : i32
    "tpu.region"() ({
      %run_scoped3A = tpu.sem_alloc : memref<!tpu.dma_semaphore, #tpu.memory_space<semaphore_mem>>
      %dma_start3A = arith.constant 0 : i32
      %dma_start3A_17 = tpu.memref_slice %arg5[%arg0, %mul3A_16, %dma_start3A] : memref<2x10240x16xf32, #tpu.memory_space<hbm>> -> memref<1x640x16xf32, #tpu.memory_space<hbm>>
      %dma_start3A_18 = tpu.memref_squeeze %dma_start3A_17 : memref<1x640x16xf32, #tpu.memory_space<hbm>> -> memref<640x16xf32, #tpu.memory_space<hbm>>
      %dma_start3A_19 = arith.constant 0 : i32
      %dma_start3A_20 = tpu.memref_slice %arg8[%mul3A_14, %dma_start3A_19] : memref<10240x16xf32, #tpu.memory_space<vmem_shared>> -> memref<640x16xf32, #tpu.memory_space<vmem_shared>>
      tpu.enqueue_dma source(%dma_start3A_20 : memref<640x16xf32, #tpu.memory_space<vmem_shared>>) target(%dma_start3A_18 : memref<640x16xf32, #tpu.memory_space<hbm>>) target_semaphore(%run_scoped3A : memref<!tpu.dma_semaphore, #tpu.memory_space<semaphore_mem>>)
      %dma_wait3A = arith.constant 0 : i32
      %dma_wait3A_21 = tpu.memref_slice %arg5[%arg0, %mul3A_16, %dma_wait3A] : memref<2x10240x16xf32, #tpu.memory_space<hbm>> -> memref<1x640x16xf32, #tpu.memory_space<hbm>>
      %dma_wait3A_22 = tpu.memref_squeeze %dma_wait3A_21 : memref<1x640x16xf32, #tpu.memory_space<hbm>> -> memref<640x16xf32, #tpu.memory_space<hbm>>
      %dma_wait3A_23 = arith.constant 0 : i32
      %dma_wait3A_24 = tpu.memref_slice %arg8[%mul3A_14, %dma_wait3A_23] : memref<10240x16xf32, #tpu.memory_space<vmem_shared>> -> memref<640x16xf32, #tpu.memory_space<vmem_shared>>
      tpu.wait_dma2 semaphore(%run_scoped3A : memref<!tpu.dma_semaphore, #tpu.memory_space<semaphore_mem>>) src(%dma_wait3A_24 : memref<640x16xf32, #tpu.memory_space<vmem_shared>>) dst(%dma_wait3A_22 : memref<640x16xf32, #tpu.memory_space<hbm>>)
      tpu.yield
    }) : () -> ()
    return
  }
}

#map = affine_map<(d0, d1) -> (0, 0)>
#map1 = affine_map<(d0, d1) -> (0, 0, 0)>
module attributes {stable_mosaic.version = 14 : i64} {
  func.func @_propagate(%arg0: i32, %arg1: i32, %arg2: memref<10000x64xf32, #tpu.memory_space<hbm>>, %arg3: memref<32x10112xi32, #tpu.memory_space<hbm>>, %arg4: memref<32x79x128xi32, #tpu.memory_space<hbm>>, %arg5: memref<640x64xf32, #tpu.memory_space<hbm>>, %arg6: memref<2x10240x64xf32, #tpu.memory_space<hbm>>, %arg7: memref<10112xi32, #tpu.memory_space<vmem>>, %arg8: memref<79x128xi32, #tpu.memory_space<vmem>>, %arg9: memref<2x128x64xf32, #tpu.memory_space<vmem>>, %arg10: memref<10240x64xf32, #tpu.memory_space<vmem_shared>>, %arg11: memref<!tpu.dma_semaphore, #tpu.memory_space<semaphore_mem>>, %arg12: memref<!tpu.dma_semaphore, #tpu.memory_space<semaphore_mem>>, %arg13: memref<!tpu.dma_semaphore, #tpu.memory_space<semaphore_mem>>) attributes {dimension_semantics = [#tpu.dimension_semantics<core_parallel>, #tpu.dimension_semantics<subcore_parallel>], iteration_bounds = array<i64: 2, 16>, scalar_prefetch = 0 : i64, scratch_operands = 7 : i64, tpu.core_type = #tpu.core_type<sc_vector_subcore>, window_params = [{transform_indices = #map}, {transform_indices = #map}, {transform_indices = #map1}, {transform_indices = #map}, {transform_indices = #map1}]} {
    %mul3A = arith.constant 16 : i32
    %mul3A_0 = arith.muli %arg0, %mul3A : i32
    %add3A = arith.addi %mul3A_0, %arg1 : i32
    %mul3A_1 = arith.constant 640 : i32
    %mul3A_2 = arith.muli %arg1, %mul3A_1 : i32
    "tpu.region"() ({
      %run_scoped3A = tpu.sem_alloc : memref<!tpu.dma_semaphore, #tpu.memory_space<semaphore_mem>>
      %dma_start3A_66 = arith.constant 0 : i32
      %dma_start3A_67 = tpu.memref_slice %arg10[%mul3A_2, %dma_start3A_66] : memref<10240x64xf32, #tpu.memory_space<vmem_shared>> -> memref<640x64xf32, #tpu.memory_space<vmem_shared>>
      tpu.enqueue_dma source(%arg5 : memref<640x64xf32, #tpu.memory_space<hbm>>) target(%dma_start3A_67 : memref<640x64xf32, #tpu.memory_space<vmem_shared>>) target_semaphore(%run_scoped3A : memref<!tpu.dma_semaphore, #tpu.memory_space<semaphore_mem>>)
      %dma_wait3A_68 = arith.constant 0 : i32
      %dma_wait3A_69 = tpu.memref_slice %arg10[%mul3A_2, %dma_wait3A_68] : memref<10240x64xf32, #tpu.memory_space<vmem_shared>> -> memref<640x64xf32, #tpu.memory_space<vmem_shared>>
      tpu.wait_dma2 semaphore(%run_scoped3A : memref<!tpu.dma_semaphore, #tpu.memory_space<semaphore_mem>>) src(%arg5 : memref<640x64xf32, #tpu.memory_space<hbm>>) dst(%dma_wait3A_69 : memref<640x64xf32, #tpu.memory_space<vmem_shared>>)
      tpu.yield
    }) : () -> ()
    "tpu.region"() ({
      %run_scoped3A = tpu.sem_alloc : memref<!tpu.dma_semaphore, #tpu.memory_space<semaphore_mem>>
      %dma_start3A_66 = arith.constant 0 : i32
      %dma_start3A_67 = tpu.memref_slice %arg3[%add3A, %dma_start3A_66] : memref<32x10112xi32, #tpu.memory_space<hbm>> -> memref<1x10112xi32, #tpu.memory_space<hbm>>
      %dma_start3A_68 = tpu.memref_squeeze %dma_start3A_67 : memref<1x10112xi32, #tpu.memory_space<hbm>> -> memref<10112xi32, #tpu.memory_space<hbm>>
      %dma_start3A_69 = arith.constant 0 : i32
      %dma_start3A_70 = tpu.memref_slice %arg3[%add3A, %dma_start3A_69] : memref<32x10112xi32, #tpu.memory_space<hbm>> -> memref<1x10112xi32, #tpu.memory_space<hbm>>
      %dma_start3A_71 = tpu.memref_squeeze %dma_start3A_70 : memref<1x10112xi32, #tpu.memory_space<hbm>> -> memref<10112xi32, #tpu.memory_space<hbm>>
      tpu.enqueue_dma source(%dma_start3A_71 : memref<10112xi32, #tpu.memory_space<hbm>>) target(%arg7 : memref<10112xi32, #tpu.memory_space<vmem>>) target_semaphore(%run_scoped3A : memref<!tpu.dma_semaphore, #tpu.memory_space<semaphore_mem>>)
      %dma_wait3A_72 = arith.constant 0 : i32
      %dma_wait3A_73 = tpu.memref_slice %arg3[%add3A, %dma_wait3A_72] : memref<32x10112xi32, #tpu.memory_space<hbm>> -> memref<1x10112xi32, #tpu.memory_space<hbm>>
      %dma_wait3A_74 = tpu.memref_squeeze %dma_wait3A_73 : memref<1x10112xi32, #tpu.memory_space<hbm>> -> memref<10112xi32, #tpu.memory_space<hbm>>
      %dma_wait3A_75 = arith.constant 0 : i32
      %dma_wait3A_76 = tpu.memref_slice %arg3[%add3A, %dma_wait3A_75] : memref<32x10112xi32, #tpu.memory_space<hbm>> -> memref<1x10112xi32, #tpu.memory_space<hbm>>
      %dma_wait3A_77 = tpu.memref_squeeze %dma_wait3A_76 : memref<1x10112xi32, #tpu.memory_space<hbm>> -> memref<10112xi32, #tpu.memory_space<hbm>>
      tpu.wait_dma2 semaphore(%run_scoped3A : memref<!tpu.dma_semaphore, #tpu.memory_space<semaphore_mem>>) src(%dma_wait3A_77 : memref<10112xi32, #tpu.memory_space<hbm>>) dst(%arg7 : memref<10112xi32, #tpu.memory_space<vmem>>)
      tpu.yield
    }) : () -> ()
    "tpu.region"() ({
      %run_scoped3A = tpu.sem_alloc : memref<!tpu.dma_semaphore, #tpu.memory_space<semaphore_mem>>
      %dma_start3A_66 = arith.constant 0 : i32
      %dma_start3A_67 = arith.constant 0 : i32
      %dma_start3A_68 = tpu.memref_slice %arg4[%add3A, %dma_start3A_66, %dma_start3A_67] : memref<32x79x128xi32, #tpu.memory_space<hbm>> -> memref<1x79x128xi32, #tpu.memory_space<hbm>>
      %dma_start3A_69 = tpu.memref_squeeze %dma_start3A_68 : memref<1x79x128xi32, #tpu.memory_space<hbm>> -> memref<79x128xi32, #tpu.memory_space<hbm>>
      %dma_start3A_70 = arith.constant 0 : i32
      %dma_start3A_71 = arith.constant 0 : i32
      %dma_start3A_72 = tpu.memref_slice %arg4[%add3A, %dma_start3A_70, %dma_start3A_71] : memref<32x79x128xi32, #tpu.memory_space<hbm>> -> memref<1x79x128xi32, #tpu.memory_space<hbm>>
      %dma_start3A_73 = tpu.memref_squeeze %dma_start3A_72 : memref<1x79x128xi32, #tpu.memory_space<hbm>> -> memref<79x128xi32, #tpu.memory_space<hbm>>
      tpu.enqueue_dma source(%dma_start3A_73 : memref<79x128xi32, #tpu.memory_space<hbm>>) target(%arg8 : memref<79x128xi32, #tpu.memory_space<vmem>>) target_semaphore(%run_scoped3A : memref<!tpu.dma_semaphore, #tpu.memory_space<semaphore_mem>>)
      %dma_wait3A_74 = arith.constant 0 : i32
      %dma_wait3A_75 = arith.constant 0 : i32
      %dma_wait3A_76 = tpu.memref_slice %arg4[%add3A, %dma_wait3A_74, %dma_wait3A_75] : memref<32x79x128xi32, #tpu.memory_space<hbm>> -> memref<1x79x128xi32, #tpu.memory_space<hbm>>
      %dma_wait3A_77 = tpu.memref_squeeze %dma_wait3A_76 : memref<1x79x128xi32, #tpu.memory_space<hbm>> -> memref<79x128xi32, #tpu.memory_space<hbm>>
      %dma_wait3A_78 = arith.constant 0 : i32
      %dma_wait3A_79 = arith.constant 0 : i32
      %dma_wait3A_80 = tpu.memref_slice %arg4[%add3A, %dma_wait3A_78, %dma_wait3A_79] : memref<32x79x128xi32, #tpu.memory_space<hbm>> -> memref<1x79x128xi32, #tpu.memory_space<hbm>>
      %dma_wait3A_81 = tpu.memref_squeeze %dma_wait3A_80 : memref<1x79x128xi32, #tpu.memory_space<hbm>> -> memref<79x128xi32, #tpu.memory_space<hbm>>
      tpu.wait_dma2 semaphore(%run_scoped3A : memref<!tpu.dma_semaphore, #tpu.memory_space<semaphore_mem>>) src(%dma_wait3A_81 : memref<79x128xi32, #tpu.memory_space<hbm>>) dst(%arg8 : memref<79x128xi32, #tpu.memory_space<vmem>>)
      tpu.yield
    }) : () -> ()
    %barrier3A = arith.constant 0 : index
    tpu.barrier barrier_id(%barrier3A)
    %scan3A = arith.constant 0 : i32
    %scan3A_3 = arith.constant 39 : i32
    %scan3A_4 = arith.addi %scan3A, %scan3A_3 : i32
    %scan3A_5 = arith.constant 1 : i32
    scf.for %scan3A_66 = %scan3A to %scan3A_4 step %scan3A_5  : i32 {
      %mul3A_67 = arith.constant 2 : i32
      %mul3A_68 = arith.muli %scan3A_66, %mul3A_67 : i32
      %add3A_69 = arith.constant 0 : i32
      %add3A_70 = arith.addi %add3A_69, %mul3A_68 : i32
      %add3A_71 = arith.constant 0 : i32
      %add3A_72 = arith.addi %add3A_70, %add3A_71 : i32
      %mul3A_73 = arith.constant 128 : i32
      %mul3A_74 = arith.muli %add3A_72, %mul3A_73 : i32
      %dma_start3A_75 = arith.constant 0 : i32
      %dma_start3A_76 = arith.constant 0 : i32
      %dma_start3A_77 = arith.constant 0 : i32
      %dma_start3A_78 = tpu.memref_slice %arg9[%dma_start3A_75, %dma_start3A_76, %dma_start3A_77] : memref<2x128x64xf32, #tpu.memory_space<vmem>> -> memref<1x128x64xf32, #tpu.memory_space<vmem>>
      %dma_start3A_79 = tpu.memref_squeeze %dma_start3A_78 : memref<1x128x64xf32, #tpu.memory_space<vmem>> -> memref<128x64xf32, #tpu.memory_space<vmem>>
      %dma_start3A_80 = tpu.memref_slice %arg7[%mul3A_74] : memref<10112xi32, #tpu.memory_space<vmem>> -> memref<128xi32, #tpu.memory_space<vmem>>
      %dma_start3A_81 = arith.constant 0 : i32
      %dma_start3A_82 = arith.constant 0 : i32
      %dma_start3A_83 = tpu.memref_slice %arg2[%dma_start3A_81, %dma_start3A_82] : memref<10000x64xf32, #tpu.memory_space<hbm>> -> memref<10000x64xf32, #tpu.memory_space<hbm>>
      tpu.enqueue_indirect_dma source(%dma_start3A_83 : memref<10000x64xf32, #tpu.memory_space<hbm>>) target(%dma_start3A_79 : memref<128x64xf32, #tpu.memory_space<vmem>>) offsets(%dma_start3A_80 : memref<128xi32, #tpu.memory_space<vmem>>) semaphore(%arg11 : memref<!tpu.dma_semaphore, #tpu.memory_space<semaphore_mem>>)
      %dma_wait3A_84 = arith.constant 0 : i32
      %dma_wait3A_85 = arith.constant 0 : i32
      %dma_wait3A_86 = arith.constant 0 : i32
      %dma_wait3A_87 = tpu.memref_slice %arg9[%dma_wait3A_84, %dma_wait3A_85, %dma_wait3A_86] : memref<2x128x64xf32, #tpu.memory_space<vmem>> -> memref<1x128x64xf32, #tpu.memory_space<vmem>>
      %dma_wait3A_88 = tpu.memref_squeeze %dma_wait3A_87 : memref<1x128x64xf32, #tpu.memory_space<vmem>> -> memref<128x64xf32, #tpu.memory_space<vmem>>
      %dma_wait3A_89 = tpu.memref_slice %arg7[%mul3A_74] : memref<10112xi32, #tpu.memory_space<vmem>> -> memref<128xi32, #tpu.memory_space<vmem>>
      %dma_wait3A_90 = arith.constant 0 : i32
      %dma_wait3A_91 = arith.constant 0 : i32
      %dma_wait3A_92 = tpu.memref_slice %arg2[%dma_wait3A_90, %dma_wait3A_91] : memref<10000x64xf32, #tpu.memory_space<hbm>> -> memref<10000x64xf32, #tpu.memory_space<hbm>>
      tpu.wait_indirect_dma semaphore(%arg11 : memref<!tpu.dma_semaphore, #tpu.memory_space<semaphore_mem>>) src(%dma_wait3A_92 : memref<10000x64xf32, #tpu.memory_space<hbm>>) dst(%dma_wait3A_88 : memref<128x64xf32, #tpu.memory_space<vmem>>)
      %ge3A = arith.constant 1 : i32
      %ge3A_93 = arith.cmpi sge, %add3A_72, %ge3A : i32
      %convert_element_type3A = arith.extui %ge3A_93 : i1 to i32
      %cond3A = arith.constant 0 : i32
      %cond3A_94 = arith.cmpi ne, %convert_element_type3A, %cond3A : i32
      scf.if %cond3A_94 {
        %sub3A = arith.constant 1 : i32
        %sub3A_144 = arith.subi %add3A_72, %sub3A : i32
        %dma_wait3A_145 = arith.constant 1 : i32
        %dma_wait3A_146 = arith.constant 0 : i32
        %dma_wait3A_147 = arith.constant 0 : i32
        %dma_wait3A_148 = tpu.memref_slice %arg9[%dma_wait3A_145, %dma_wait3A_146, %dma_wait3A_147] : memref<2x128x64xf32, #tpu.memory_space<vmem>> -> memref<1x128x64xf32, #tpu.memory_space<vmem>>
        %dma_wait3A_149 = tpu.memref_squeeze %dma_wait3A_148 : memref<1x128x64xf32, #tpu.memory_space<vmem>> -> memref<128x64xf32, #tpu.memory_space<vmem>>
        %dma_wait3A_150 = arith.constant 0 : i32
        %dma_wait3A_151 = tpu.memref_slice %arg8[%sub3A_144, %dma_wait3A_150] : memref<79x128xi32, #tpu.memory_space<vmem>> -> memref<1x128xi32, #tpu.memory_space<vmem>>
        %dma_wait3A_152 = tpu.memref_squeeze %dma_wait3A_151 : memref<1x128xi32, #tpu.memory_space<vmem>> -> memref<128xi32, #tpu.memory_space<vmem>>
        %dma_wait3A_153 = arith.constant 0 : i32
        %dma_wait3A_154 = arith.constant 0 : i32
        %dma_wait3A_155 = tpu.memref_slice %arg10[%dma_wait3A_153, %dma_wait3A_154] : memref<10240x64xf32, #tpu.memory_space<vmem_shared>> -> memref<10240x64xf32, #tpu.memory_space<vmem_shared>>
        tpu.wait_indirect_dma semaphore(%arg13 : memref<!tpu.dma_semaphore, #tpu.memory_space<semaphore_mem>>) src(%dma_wait3A_149 : memref<128x64xf32, #tpu.memory_space<vmem>>) dst(%dma_wait3A_155 : memref<10240x64xf32, #tpu.memory_space<vmem_shared>>)
      } else {
      }
      %dma_start3A_95 = arith.constant 0 : i32
      %dma_start3A_96 = arith.constant 0 : i32
      %dma_start3A_97 = arith.constant 0 : i32
      %dma_start3A_98 = tpu.memref_slice %arg9[%dma_start3A_95, %dma_start3A_96, %dma_start3A_97] : memref<2x128x64xf32, #tpu.memory_space<vmem>> -> memref<1x128x64xf32, #tpu.memory_space<vmem>>
      %dma_start3A_99 = tpu.memref_squeeze %dma_start3A_98 : memref<1x128x64xf32, #tpu.memory_space<vmem>> -> memref<128x64xf32, #tpu.memory_space<vmem>>
      %dma_start3A_100 = arith.constant 0 : i32
      %dma_start3A_101 = tpu.memref_slice %arg8[%add3A_72, %dma_start3A_100] : memref<79x128xi32, #tpu.memory_space<vmem>> -> memref<1x128xi32, #tpu.memory_space<vmem>>
      %dma_start3A_102 = tpu.memref_squeeze %dma_start3A_101 : memref<1x128xi32, #tpu.memory_space<vmem>> -> memref<128xi32, #tpu.memory_space<vmem>>
      %dma_start3A_103 = arith.constant 0 : i32
      %dma_start3A_104 = arith.constant 0 : i32
      %dma_start3A_105 = tpu.memref_slice %arg10[%dma_start3A_103, %dma_start3A_104] : memref<10240x64xf32, #tpu.memory_space<vmem_shared>> -> memref<10240x64xf32, #tpu.memory_space<vmem_shared>>
      tpu.enqueue_indirect_dma source(%dma_start3A_99 : memref<128x64xf32, #tpu.memory_space<vmem>>) target(%dma_start3A_105 : memref<10240x64xf32, #tpu.memory_space<vmem_shared>>) offsets(%dma_start3A_102 : memref<128xi32, #tpu.memory_space<vmem>>) semaphore(%arg12 : memref<!tpu.dma_semaphore, #tpu.memory_space<semaphore_mem>>) {add = true}
      %add3A_106 = arith.constant 1 : i32
      %add3A_107 = arith.addi %add3A_70, %add3A_106 : i32
      %mul3A_108 = arith.constant 128 : i32
      %mul3A_109 = arith.muli %add3A_107, %mul3A_108 : i32
      %dma_start3A_110 = arith.constant 1 : i32
      %dma_start3A_111 = arith.constant 0 : i32
      %dma_start3A_112 = arith.constant 0 : i32
      %dma_start3A_113 = tpu.memref_slice %arg9[%dma_start3A_110, %dma_start3A_111, %dma_start3A_112] : memref<2x128x64xf32, #tpu.memory_space<vmem>> -> memref<1x128x64xf32, #tpu.memory_space<vmem>>
      %dma_start3A_114 = tpu.memref_squeeze %dma_start3A_113 : memref<1x128x64xf32, #tpu.memory_space<vmem>> -> memref<128x64xf32, #tpu.memory_space<vmem>>
      %dma_start3A_115 = tpu.memref_slice %arg7[%mul3A_109] : memref<10112xi32, #tpu.memory_space<vmem>> -> memref<128xi32, #tpu.memory_space<vmem>>
      %dma_start3A_116 = arith.constant 0 : i32
      %dma_start3A_117 = arith.constant 0 : i32
      %dma_start3A_118 = tpu.memref_slice %arg2[%dma_start3A_116, %dma_start3A_117] : memref<10000x64xf32, #tpu.memory_space<hbm>> -> memref<10000x64xf32, #tpu.memory_space<hbm>>
      tpu.enqueue_indirect_dma source(%dma_start3A_118 : memref<10000x64xf32, #tpu.memory_space<hbm>>) target(%dma_start3A_114 : memref<128x64xf32, #tpu.memory_space<vmem>>) offsets(%dma_start3A_115 : memref<128xi32, #tpu.memory_space<vmem>>) semaphore(%arg11 : memref<!tpu.dma_semaphore, #tpu.memory_space<semaphore_mem>>)
      %dma_wait3A_119 = arith.constant 1 : i32
      %dma_wait3A_120 = arith.constant 0 : i32
      %dma_wait3A_121 = arith.constant 0 : i32
      %dma_wait3A_122 = tpu.memref_slice %arg9[%dma_wait3A_119, %dma_wait3A_120, %dma_wait3A_121] : memref<2x128x64xf32, #tpu.memory_space<vmem>> -> memref<1x128x64xf32, #tpu.memory_space<vmem>>
      %dma_wait3A_123 = tpu.memref_squeeze %dma_wait3A_122 : memref<1x128x64xf32, #tpu.memory_space<vmem>> -> memref<128x64xf32, #tpu.memory_space<vmem>>
      %dma_wait3A_124 = tpu.memref_slice %arg7[%mul3A_109] : memref<10112xi32, #tpu.memory_space<vmem>> -> memref<128xi32, #tpu.memory_space<vmem>>
      %dma_wait3A_125 = arith.constant 0 : i32
      %dma_wait3A_126 = arith.constant 0 : i32
      %dma_wait3A_127 = tpu.memref_slice %arg2[%dma_wait3A_125, %dma_wait3A_126] : memref<10000x64xf32, #tpu.memory_space<hbm>> -> memref<10000x64xf32, #tpu.memory_space<hbm>>
      tpu.wait_indirect_dma semaphore(%arg11 : memref<!tpu.dma_semaphore, #tpu.memory_space<semaphore_mem>>) src(%dma_wait3A_127 : memref<10000x64xf32, #tpu.memory_space<hbm>>) dst(%dma_wait3A_123 : memref<128x64xf32, #tpu.memory_space<vmem>>)
      %ge3A_128 = arith.constant 1 : i32
      %ge3A_129 = arith.cmpi sge, %add3A_107, %ge3A_128 : i32
      %convert_element_type3A_130 = arith.extui %ge3A_129 : i1 to i32
      %cond3A_131 = arith.constant 0 : i32
      %cond3A_132 = arith.cmpi ne, %convert_element_type3A_130, %cond3A_131 : i32
      scf.if %cond3A_132 {
        %sub3A = arith.constant 1 : i32
        %sub3A_144 = arith.subi %add3A_107, %sub3A : i32
        %dma_wait3A_145 = arith.constant 0 : i32
        %dma_wait3A_146 = arith.constant 0 : i32
        %dma_wait3A_147 = arith.constant 0 : i32
        %dma_wait3A_148 = tpu.memref_slice %arg9[%dma_wait3A_145, %dma_wait3A_146, %dma_wait3A_147] : memref<2x128x64xf32, #tpu.memory_space<vmem>> -> memref<1x128x64xf32, #tpu.memory_space<vmem>>
        %dma_wait3A_149 = tpu.memref_squeeze %dma_wait3A_148 : memref<1x128x64xf32, #tpu.memory_space<vmem>> -> memref<128x64xf32, #tpu.memory_space<vmem>>
        %dma_wait3A_150 = arith.constant 0 : i32
        %dma_wait3A_151 = tpu.memref_slice %arg8[%sub3A_144, %dma_wait3A_150] : memref<79x128xi32, #tpu.memory_space<vmem>> -> memref<1x128xi32, #tpu.memory_space<vmem>>
        %dma_wait3A_152 = tpu.memref_squeeze %dma_wait3A_151 : memref<1x128xi32, #tpu.memory_space<vmem>> -> memref<128xi32, #tpu.memory_space<vmem>>
        %dma_wait3A_153 = arith.constant 0 : i32
        %dma_wait3A_154 = arith.constant 0 : i32
        %dma_wait3A_155 = tpu.memref_slice %arg10[%dma_wait3A_153, %dma_wait3A_154] : memref<10240x64xf32, #tpu.memory_space<vmem_shared>> -> memref<10240x64xf32, #tpu.memory_space<vmem_shared>>
        tpu.wait_indirect_dma semaphore(%arg12 : memref<!tpu.dma_semaphore, #tpu.memory_space<semaphore_mem>>) src(%dma_wait3A_149 : memref<128x64xf32, #tpu.memory_space<vmem>>) dst(%dma_wait3A_155 : memref<10240x64xf32, #tpu.memory_space<vmem_shared>>)
      } else {
      }
      %dma_start3A_133 = arith.constant 1 : i32
      %dma_start3A_134 = arith.constant 0 : i32
      %dma_start3A_135 = arith.constant 0 : i32
      %dma_start3A_136 = tpu.memref_slice %arg9[%dma_start3A_133, %dma_start3A_134, %dma_start3A_135] : memref<2x128x64xf32, #tpu.memory_space<vmem>> -> memref<1x128x64xf32, #tpu.memory_space<vmem>>
      %dma_start3A_137 = tpu.memref_squeeze %dma_start3A_136 : memref<1x128x64xf32, #tpu.memory_space<vmem>> -> memref<128x64xf32, #tpu.memory_space<vmem>>
      %dma_start3A_138 = arith.constant 0 : i32
      %dma_start3A_139 = tpu.memref_slice %arg8[%add3A_107, %dma_start3A_138] : memref<79x128xi32, #tpu.memory_space<vmem>> -> memref<1x128xi32, #tpu.memory_space<vmem>>
      %dma_start3A_140 = tpu.memref_squeeze %dma_start3A_139 : memref<1x128xi32, #tpu.memory_space<vmem>> -> memref<128xi32, #tpu.memory_space<vmem>>
      %dma_start3A_141 = arith.constant 0 : i32
      %dma_start3A_142 = arith.constant 0 : i32
      %dma_start3A_143 = tpu.memref_slice %arg10[%dma_start3A_141, %dma_start3A_142] : memref<10240x64xf32, #tpu.memory_space<vmem_shared>> -> memref<10240x64xf32, #tpu.memory_space<vmem_shared>>
      tpu.enqueue_indirect_dma source(%dma_start3A_137 : memref<128x64xf32, #tpu.memory_space<vmem>>) target(%dma_start3A_143 : memref<10240x64xf32, #tpu.memory_space<vmem_shared>>) offsets(%dma_start3A_140 : memref<128xi32, #tpu.memory_space<vmem>>) semaphore(%arg13 : memref<!tpu.dma_semaphore, #tpu.memory_space<semaphore_mem>>) {add = true}
    }
    %scan3A_6 = arith.constant 39 : i32
    %dma_start3A = arith.constant 0 : i32
    %dma_start3A_7 = arith.constant 0 : i32
    %dma_start3A_8 = arith.constant 0 : i32
    %dma_start3A_9 = tpu.memref_slice %arg9[%dma_start3A, %dma_start3A_7, %dma_start3A_8] : memref<2x128x64xf32, #tpu.memory_space<vmem>> -> memref<1x128x64xf32, #tpu.memory_space<vmem>>
    %dma_start3A_10 = tpu.memref_squeeze %dma_start3A_9 : memref<1x128x64xf32, #tpu.memory_space<vmem>> -> memref<128x64xf32, #tpu.memory_space<vmem>>
    %dma_start3A_11 = arith.constant 9984 : i32
    %dma_start3A_12 = tpu.memref_slice %arg7[%dma_start3A_11] : memref<10112xi32, #tpu.memory_space<vmem>> -> memref<128xi32, #tpu.memory_space<vmem>>
    %dma_start3A_13 = arith.constant 0 : i32
    %dma_start3A_14 = arith.constant 0 : i32
    %dma_start3A_15 = tpu.memref_slice %arg2[%dma_start3A_13, %dma_start3A_14] : memref<10000x64xf32, #tpu.memory_space<hbm>> -> memref<10000x64xf32, #tpu.memory_space<hbm>>
    tpu.enqueue_indirect_dma source(%dma_start3A_15 : memref<10000x64xf32, #tpu.memory_space<hbm>>) target(%dma_start3A_10 : memref<128x64xf32, #tpu.memory_space<vmem>>) offsets(%dma_start3A_12 : memref<128xi32, #tpu.memory_space<vmem>>) semaphore(%arg11 : memref<!tpu.dma_semaphore, #tpu.memory_space<semaphore_mem>>)
    %dma_wait3A = arith.constant 0 : i32
    %dma_wait3A_16 = arith.constant 0 : i32
    %dma_wait3A_17 = arith.constant 0 : i32
    %dma_wait3A_18 = tpu.memref_slice %arg9[%dma_wait3A, %dma_wait3A_16, %dma_wait3A_17] : memref<2x128x64xf32, #tpu.memory_space<vmem>> -> memref<1x128x64xf32, #tpu.memory_space<vmem>>
    %dma_wait3A_19 = tpu.memref_squeeze %dma_wait3A_18 : memref<1x128x64xf32, #tpu.memory_space<vmem>> -> memref<128x64xf32, #tpu.memory_space<vmem>>
    %dma_wait3A_20 = arith.constant 9984 : i32
    %dma_wait3A_21 = tpu.memref_slice %arg7[%dma_wait3A_20] : memref<10112xi32, #tpu.memory_space<vmem>> -> memref<128xi32, #tpu.memory_space<vmem>>
    %dma_wait3A_22 = arith.constant 0 : i32
    %dma_wait3A_23 = arith.constant 0 : i32
    %dma_wait3A_24 = tpu.memref_slice %arg2[%dma_wait3A_22, %dma_wait3A_23] : memref<10000x64xf32, #tpu.memory_space<hbm>> -> memref<10000x64xf32, #tpu.memory_space<hbm>>
    tpu.wait_indirect_dma semaphore(%arg11 : memref<!tpu.dma_semaphore, #tpu.memory_space<semaphore_mem>>) src(%dma_wait3A_24 : memref<10000x64xf32, #tpu.memory_space<hbm>>) dst(%dma_wait3A_19 : memref<128x64xf32, #tpu.memory_space<vmem>>)
    %dma_wait3A_25 = arith.constant 1 : i32
    %dma_wait3A_26 = arith.constant 77 : i32
    %dma_wait3A_27 = arith.constant 0 : i32
    %dma_wait3A_28 = arith.constant 0 : i32
    %dma_wait3A_29 = tpu.memref_slice %arg9[%dma_wait3A_25, %dma_wait3A_27, %dma_wait3A_28] : memref<2x128x64xf32, #tpu.memory_space<vmem>> -> memref<1x128x64xf32, #tpu.memory_space<vmem>>
    %dma_wait3A_30 = tpu.memref_squeeze %dma_wait3A_29 : memref<1x128x64xf32, #tpu.memory_space<vmem>> -> memref<128x64xf32, #tpu.memory_space<vmem>>
    %dma_wait3A_31 = arith.constant 0 : i32
    %dma_wait3A_32 = tpu.memref_slice %arg8[%dma_wait3A_26, %dma_wait3A_31] : memref<79x128xi32, #tpu.memory_space<vmem>> -> memref<1x128xi32, #tpu.memory_space<vmem>>
    %dma_wait3A_33 = tpu.memref_squeeze %dma_wait3A_32 : memref<1x128xi32, #tpu.memory_space<vmem>> -> memref<128xi32, #tpu.memory_space<vmem>>
    %dma_wait3A_34 = arith.constant 0 : i32
    %dma_wait3A_35 = arith.constant 0 : i32
    %dma_wait3A_36 = tpu.memref_slice %arg10[%dma_wait3A_34, %dma_wait3A_35] : memref<10240x64xf32, #tpu.memory_space<vmem_shared>> -> memref<10240x64xf32, #tpu.memory_space<vmem_shared>>
    tpu.wait_indirect_dma semaphore(%arg13 : memref<!tpu.dma_semaphore, #tpu.memory_space<semaphore_mem>>) src(%dma_wait3A_30 : memref<128x64xf32, #tpu.memory_space<vmem>>) dst(%dma_wait3A_36 : memref<10240x64xf32, #tpu.memory_space<vmem_shared>>)
    %dma_start3A_37 = arith.constant 0 : i32
    %dma_start3A_38 = arith.constant 78 : i32
    %dma_start3A_39 = arith.constant 0 : i32
    %dma_start3A_40 = arith.constant 0 : i32
    %dma_start3A_41 = tpu.memref_slice %arg9[%dma_start3A_37, %dma_start3A_39, %dma_start3A_40] : memref<2x128x64xf32, #tpu.memory_space<vmem>> -> memref<1x128x64xf32, #tpu.memory_space<vmem>>
    %dma_start3A_42 = tpu.memref_squeeze %dma_start3A_41 : memref<1x128x64xf32, #tpu.memory_space<vmem>> -> memref<128x64xf32, #tpu.memory_space<vmem>>
    %dma_start3A_43 = arith.constant 0 : i32
    %dma_start3A_44 = tpu.memref_slice %arg8[%dma_start3A_38, %dma_start3A_43] : memref<79x128xi32, #tpu.memory_space<vmem>> -> memref<1x128xi32, #tpu.memory_space<vmem>>
    %dma_start3A_45 = tpu.memref_squeeze %dma_start3A_44 : memref<1x128xi32, #tpu.memory_space<vmem>> -> memref<128xi32, #tpu.memory_space<vmem>>
    %dma_start3A_46 = arith.constant 0 : i32
    %dma_start3A_47 = arith.constant 0 : i32
    %dma_start3A_48 = tpu.memref_slice %arg10[%dma_start3A_46, %dma_start3A_47] : memref<10240x64xf32, #tpu.memory_space<vmem_shared>> -> memref<10240x64xf32, #tpu.memory_space<vmem_shared>>
    tpu.enqueue_indirect_dma source(%dma_start3A_42 : memref<128x64xf32, #tpu.memory_space<vmem>>) target(%dma_start3A_48 : memref<10240x64xf32, #tpu.memory_space<vmem_shared>>) offsets(%dma_start3A_45 : memref<128xi32, #tpu.memory_space<vmem>>) semaphore(%arg12 : memref<!tpu.dma_semaphore, #tpu.memory_space<semaphore_mem>>) {add = true}
    %dma_wait3A_49 = arith.constant 0 : i32
    %dma_wait3A_50 = arith.constant 78 : i32
    %dma_wait3A_51 = arith.constant 0 : i32
    %dma_wait3A_52 = arith.constant 0 : i32
    %dma_wait3A_53 = tpu.memref_slice %arg9[%dma_wait3A_49, %dma_wait3A_51, %dma_wait3A_52] : memref<2x128x64xf32, #tpu.memory_space<vmem>> -> memref<1x128x64xf32, #tpu.memory_space<vmem>>
    %dma_wait3A_54 = tpu.memref_squeeze %dma_wait3A_53 : memref<1x128x64xf32, #tpu.memory_space<vmem>> -> memref<128x64xf32, #tpu.memory_space<vmem>>
    %dma_wait3A_55 = arith.constant 0 : i32
    %dma_wait3A_56 = tpu.memref_slice %arg8[%dma_wait3A_50, %dma_wait3A_55] : memref<79x128xi32, #tpu.memory_space<vmem>> -> memref<1x128xi32, #tpu.memory_space<vmem>>
    %dma_wait3A_57 = tpu.memref_squeeze %dma_wait3A_56 : memref<1x128xi32, #tpu.memory_space<vmem>> -> memref<128xi32, #tpu.memory_space<vmem>>
    %dma_wait3A_58 = arith.constant 0 : i32
    %dma_wait3A_59 = arith.constant 0 : i32
    %dma_wait3A_60 = tpu.memref_slice %arg10[%dma_wait3A_58, %dma_wait3A_59] : memref<10240x64xf32, #tpu.memory_space<vmem_shared>> -> memref<10240x64xf32, #tpu.memory_space<vmem_shared>>
    tpu.wait_indirect_dma semaphore(%arg12 : memref<!tpu.dma_semaphore, #tpu.memory_space<semaphore_mem>>) src(%dma_wait3A_54 : memref<128x64xf32, #tpu.memory_space<vmem>>) dst(%dma_wait3A_60 : memref<10240x64xf32, #tpu.memory_space<vmem_shared>>)
    %barrier3A_61 = arith.constant 0 : index
    tpu.barrier barrier_id(%barrier3A_61)
    %mul3A_62 = arith.constant 640 : i32
    %mul3A_63 = arith.muli %arg1, %mul3A_62 : i32
    %mul3A_64 = arith.constant 640 : i32
    %mul3A_65 = arith.muli %arg1, %mul3A_64 : i32
    "tpu.region"() ({
      %run_scoped3A = tpu.sem_alloc : memref<!tpu.dma_semaphore, #tpu.memory_space<semaphore_mem>>
      %dma_start3A_66 = arith.constant 0 : i32
      %dma_start3A_67 = tpu.memref_slice %arg6[%arg0, %mul3A_65, %dma_start3A_66] : memref<2x10240x64xf32, #tpu.memory_space<hbm>> -> memref<1x640x64xf32, #tpu.memory_space<hbm>>
      %dma_start3A_68 = tpu.memref_squeeze %dma_start3A_67 : memref<1x640x64xf32, #tpu.memory_space<hbm>> -> memref<640x64xf32, #tpu.memory_space<hbm>>
      %dma_start3A_69 = arith.constant 0 : i32
      %dma_start3A_70 = tpu.memref_slice %arg10[%mul3A_63, %dma_start3A_69] : memref<10240x64xf32, #tpu.memory_space<vmem_shared>> -> memref<640x64xf32, #tpu.memory_space<vmem_shared>>
      tpu.enqueue_dma source(%dma_start3A_70 : memref<640x64xf32, #tpu.memory_space<vmem_shared>>) target(%dma_start3A_68 : memref<640x64xf32, #tpu.memory_space<hbm>>) target_semaphore(%run_scoped3A : memref<!tpu.dma_semaphore, #tpu.memory_space<semaphore_mem>>)
      %dma_wait3A_71 = arith.constant 0 : i32
      %dma_wait3A_72 = tpu.memref_slice %arg6[%arg0, %mul3A_65, %dma_wait3A_71] : memref<2x10240x64xf32, #tpu.memory_space<hbm>> -> memref<1x640x64xf32, #tpu.memory_space<hbm>>
      %dma_wait3A_73 = tpu.memref_squeeze %dma_wait3A_72 : memref<1x640x64xf32, #tpu.memory_space<hbm>> -> memref<640x64xf32, #tpu.memory_space<hbm>>
      %dma_wait3A_74 = arith.constant 0 : i32
      %dma_wait3A_75 = tpu.memref_slice %arg10[%mul3A_63, %dma_wait3A_74] : memref<10240x64xf32, #tpu.memory_space<vmem_shared>> -> memref<640x64xf32, #tpu.memory_space<vmem_shared>>
      tpu.wait_dma2 semaphore(%run_scoped3A : memref<!tpu.dma_semaphore, #tpu.memory_space<semaphore_mem>>) src(%dma_wait3A_75 : memref<640x64xf32, #tpu.memory_space<vmem_shared>>) dst(%dma_wait3A_73 : memref<640x64xf32, #tpu.memory_space<hbm>>)
      tpu.yield
    }) : () -> ()
    return
  }
}

#map = affine_map<(d0, d1) -> (0, 0)>
#map1 = affine_map<(d0, d1) -> (0, 0, 0)>
module attributes {stable_mosaic.version = 14 : i64} {
  func.func @_propagate(%arg0: i32, %arg1: i32, %arg2: memref<10000x64xf32, #tpu.memory_space<hbm>>, %arg3: memref<32x10112xi32, #tpu.memory_space<hbm>>, %arg4: memref<32x79x128xi32, #tpu.memory_space<hbm>>, %arg5: memref<640x64xf32, #tpu.memory_space<hbm>>, %arg6: memref<2x10240x64xf32, #tpu.memory_space<hbm>>, %arg7: memref<10112xi32, #tpu.memory_space<vmem>>, %arg8: memref<79x128xi32, #tpu.memory_space<vmem>>, %arg9: memref<2x128x64xf32, #tpu.memory_space<vmem>>, %arg10: memref<10240x64xf32, #tpu.memory_space<vmem_shared>>, %arg11: memref<!tpu.dma_semaphore, #tpu.memory_space<semaphore_mem>>, %arg12: memref<!tpu.dma_semaphore, #tpu.memory_space<semaphore_mem>>, %arg13: memref<!tpu.dma_semaphore, #tpu.memory_space<semaphore_mem>>) attributes {dimension_semantics = [#tpu.dimension_semantics<core_parallel>, #tpu.dimension_semantics<subcore_parallel>], iteration_bounds = array<i64: 2, 16>, scalar_prefetch = 0 : i64, scratch_operands = 7 : i64, tpu.core_type = #tpu.core_type<sc_vector_subcore>, window_params = [{transform_indices = #map}, {transform_indices = #map}, {transform_indices = #map1}, {transform_indices = #map}, {transform_indices = #map1}]} {
    %mul3A = arith.constant 16 : i32
    %mul3A_0 = arith.muli %arg0, %mul3A : i32
    %add3A = arith.addi %mul3A_0, %arg1 : i32
    %mul3A_1 = arith.constant 640 : i32
    %mul3A_2 = arith.muli %arg1, %mul3A_1 : i32
    "tpu.region"() ({
      %run_scoped3A = tpu.sem_alloc : memref<!tpu.dma_semaphore, #tpu.memory_space<semaphore_mem>>
      %dma_start3A_66 = arith.constant 0 : i32
      %dma_start3A_67 = tpu.memref_slice %arg10[%mul3A_2, %dma_start3A_66] : memref<10240x64xf32, #tpu.memory_space<vmem_shared>> -> memref<640x64xf32, #tpu.memory_space<vmem_shared>>
      tpu.enqueue_dma source(%arg5 : memref<640x64xf32, #tpu.memory_space<hbm>>) target(%dma_start3A_67 : memref<640x64xf32, #tpu.memory_space<vmem_shared>>) target_semaphore(%run_scoped3A : memref<!tpu.dma_semaphore, #tpu.memory_space<semaphore_mem>>)
      %dma_wait3A_68 = arith.constant 0 : i32
      %dma_wait3A_69 = tpu.memref_slice %arg10[%mul3A_2, %dma_wait3A_68] : memref<10240x64xf32, #tpu.memory_space<vmem_shared>> -> memref<640x64xf32, #tpu.memory_space<vmem_shared>>
      tpu.wait_dma2 semaphore(%run_scoped3A : memref<!tpu.dma_semaphore, #tpu.memory_space<semaphore_mem>>) src(%arg5 : memref<640x64xf32, #tpu.memory_space<hbm>>) dst(%dma_wait3A_69 : memref<640x64xf32, #tpu.memory_space<vmem_shared>>)
      tpu.yield
    }) : () -> ()
    "tpu.region"() ({
      %run_scoped3A = tpu.sem_alloc : memref<!tpu.dma_semaphore, #tpu.memory_space<semaphore_mem>>
      %dma_start3A_66 = arith.constant 0 : i32
      %dma_start3A_67 = tpu.memref_slice %arg3[%add3A, %dma_start3A_66] : memref<32x10112xi32, #tpu.memory_space<hbm>> -> memref<1x10112xi32, #tpu.memory_space<hbm>>
      %dma_start3A_68 = tpu.memref_squeeze %dma_start3A_67 : memref<1x10112xi32, #tpu.memory_space<hbm>> -> memref<10112xi32, #tpu.memory_space<hbm>>
      %dma_start3A_69 = arith.constant 0 : i32
      %dma_start3A_70 = tpu.memref_slice %arg3[%add3A, %dma_start3A_69] : memref<32x10112xi32, #tpu.memory_space<hbm>> -> memref<1x10112xi32, #tpu.memory_space<hbm>>
      %dma_start3A_71 = tpu.memref_squeeze %dma_start3A_70 : memref<1x10112xi32, #tpu.memory_space<hbm>> -> memref<10112xi32, #tpu.memory_space<hbm>>
      tpu.enqueue_dma source(%dma_start3A_71 : memref<10112xi32, #tpu.memory_space<hbm>>) target(%arg7 : memref<10112xi32, #tpu.memory_space<vmem>>) target_semaphore(%run_scoped3A : memref<!tpu.dma_semaphore, #tpu.memory_space<semaphore_mem>>)
      %dma_wait3A_72 = arith.constant 0 : i32
      %dma_wait3A_73 = tpu.memref_slice %arg3[%add3A, %dma_wait3A_72] : memref<32x10112xi32, #tpu.memory_space<hbm>> -> memref<1x10112xi32, #tpu.memory_space<hbm>>
      %dma_wait3A_74 = tpu.memref_squeeze %dma_wait3A_73 : memref<1x10112xi32, #tpu.memory_space<hbm>> -> memref<10112xi32, #tpu.memory_space<hbm>>
      %dma_wait3A_75 = arith.constant 0 : i32
      %dma_wait3A_76 = tpu.memref_slice %arg3[%add3A, %dma_wait3A_75] : memref<32x10112xi32, #tpu.memory_space<hbm>> -> memref<1x10112xi32, #tpu.memory_space<hbm>>
      %dma_wait3A_77 = tpu.memref_squeeze %dma_wait3A_76 : memref<1x10112xi32, #tpu.memory_space<hbm>> -> memref<10112xi32, #tpu.memory_space<hbm>>
      tpu.wait_dma2 semaphore(%run_scoped3A : memref<!tpu.dma_semaphore, #tpu.memory_space<semaphore_mem>>) src(%dma_wait3A_77 : memref<10112xi32, #tpu.memory_space<hbm>>) dst(%arg7 : memref<10112xi32, #tpu.memory_space<vmem>>)
      tpu.yield
    }) : () -> ()
    "tpu.region"() ({
      %run_scoped3A = tpu.sem_alloc : memref<!tpu.dma_semaphore, #tpu.memory_space<semaphore_mem>>
      %dma_start3A_66 = arith.constant 0 : i32
      %dma_start3A_67 = arith.constant 0 : i32
      %dma_start3A_68 = tpu.memref_slice %arg4[%add3A, %dma_start3A_66, %dma_start3A_67] : memref<32x79x128xi32, #tpu.memory_space<hbm>> -> memref<1x79x128xi32, #tpu.memory_space<hbm>>
      %dma_start3A_69 = tpu.memref_squeeze %dma_start3A_68 : memref<1x79x128xi32, #tpu.memory_space<hbm>> -> memref<79x128xi32, #tpu.memory_space<hbm>>
      %dma_start3A_70 = arith.constant 0 : i32
      %dma_start3A_71 = arith.constant 0 : i32
      %dma_start3A_72 = tpu.memref_slice %arg4[%add3A, %dma_start3A_70, %dma_start3A_71] : memref<32x79x128xi32, #tpu.memory_space<hbm>> -> memref<1x79x128xi32, #tpu.memory_space<hbm>>
      %dma_start3A_73 = tpu.memref_squeeze %dma_start3A_72 : memref<1x79x128xi32, #tpu.memory_space<hbm>> -> memref<79x128xi32, #tpu.memory_space<hbm>>
      tpu.enqueue_dma source(%dma_start3A_73 : memref<79x128xi32, #tpu.memory_space<hbm>>) target(%arg8 : memref<79x128xi32, #tpu.memory_space<vmem>>) target_semaphore(%run_scoped3A : memref<!tpu.dma_semaphore, #tpu.memory_space<semaphore_mem>>)
      %dma_wait3A_74 = arith.constant 0 : i32
      %dma_wait3A_75 = arith.constant 0 : i32
      %dma_wait3A_76 = tpu.memref_slice %arg4[%add3A, %dma_wait3A_74, %dma_wait3A_75] : memref<32x79x128xi32, #tpu.memory_space<hbm>> -> memref<1x79x128xi32, #tpu.memory_space<hbm>>
      %dma_wait3A_77 = tpu.memref_squeeze %dma_wait3A_76 : memref<1x79x128xi32, #tpu.memory_space<hbm>> -> memref<79x128xi32, #tpu.memory_space<hbm>>
      %dma_wait3A_78 = arith.constant 0 : i32
      %dma_wait3A_79 = arith.constant 0 : i32
      %dma_wait3A_80 = tpu.memref_slice %arg4[%add3A, %dma_wait3A_78, %dma_wait3A_79] : memref<32x79x128xi32, #tpu.memory_space<hbm>> -> memref<1x79x128xi32, #tpu.memory_space<hbm>>
      %dma_wait3A_81 = tpu.memref_squeeze %dma_wait3A_80 : memref<1x79x128xi32, #tpu.memory_space<hbm>> -> memref<79x128xi32, #tpu.memory_space<hbm>>
      tpu.wait_dma2 semaphore(%run_scoped3A : memref<!tpu.dma_semaphore, #tpu.memory_space<semaphore_mem>>) src(%dma_wait3A_81 : memref<79x128xi32, #tpu.memory_space<hbm>>) dst(%arg8 : memref<79x128xi32, #tpu.memory_space<vmem>>)
      tpu.yield
    }) : () -> ()
    %barrier3A = arith.constant 0 : index
    tpu.barrier barrier_id(%barrier3A)
    %scan3A = arith.constant 0 : i32
    %scan3A_3 = arith.constant 39 : i32
    %scan3A_4 = arith.addi %scan3A, %scan3A_3 : i32
    %scan3A_5 = arith.constant 1 : i32
    scf.for %scan3A_66 = %scan3A to %scan3A_4 step %scan3A_5  : i32 {
      %mul3A_67 = arith.constant 2 : i32
      %mul3A_68 = arith.muli %scan3A_66, %mul3A_67 : i32
      %add3A_69 = arith.constant 0 : i32
      %add3A_70 = arith.addi %add3A_69, %mul3A_68 : i32
      %add3A_71 = arith.constant 0 : i32
      %add3A_72 = arith.addi %add3A_70, %add3A_71 : i32
      %mul3A_73 = arith.constant 128 : i32
      %mul3A_74 = arith.muli %add3A_72, %mul3A_73 : i32
      %dma_start3A_75 = arith.constant 0 : i32
      %dma_start3A_76 = arith.constant 0 : i32
      %dma_start3A_77 = arith.constant 0 : i32
      %dma_start3A_78 = tpu.memref_slice %arg9[%dma_start3A_75, %dma_start3A_76, %dma_start3A_77] : memref<2x128x64xf32, #tpu.memory_space<vmem>> -> memref<1x128x64xf32, #tpu.memory_space<vmem>>
      %dma_start3A_79 = tpu.memref_squeeze %dma_start3A_78 : memref<1x128x64xf32, #tpu.memory_space<vmem>> -> memref<128x64xf32, #tpu.memory_space<vmem>>
      %dma_start3A_80 = tpu.memref_slice %arg7[%mul3A_74] : memref<10112xi32, #tpu.memory_space<vmem>> -> memref<128xi32, #tpu.memory_space<vmem>>
      %dma_start3A_81 = arith.constant 0 : i32
      %dma_start3A_82 = arith.constant 0 : i32
      %dma_start3A_83 = tpu.memref_slice %arg2[%dma_start3A_81, %dma_start3A_82] : memref<10000x64xf32, #tpu.memory_space<hbm>> -> memref<10000x64xf32, #tpu.memory_space<hbm>>
      tpu.enqueue_indirect_dma source(%dma_start3A_83 : memref<10000x64xf32, #tpu.memory_space<hbm>>) target(%dma_start3A_79 : memref<128x64xf32, #tpu.memory_space<vmem>>) offsets(%dma_start3A_80 : memref<128xi32, #tpu.memory_space<vmem>>) semaphore(%arg11 : memref<!tpu.dma_semaphore, #tpu.memory_space<semaphore_mem>>)
      %dma_wait3A_84 = arith.constant 0 : i32
      %dma_wait3A_85 = arith.constant 0 : i32
      %dma_wait3A_86 = arith.constant 0 : i32
      %dma_wait3A_87 = tpu.memref_slice %arg9[%dma_wait3A_84, %dma_wait3A_85, %dma_wait3A_86] : memref<2x128x64xf32, #tpu.memory_space<vmem>> -> memref<1x128x64xf32, #tpu.memory_space<vmem>>
      %dma_wait3A_88 = tpu.memref_squeeze %dma_wait3A_87 : memref<1x128x64xf32, #tpu.memory_space<vmem>> -> memref<128x64xf32, #tpu.memory_space<vmem>>
      %dma_wait3A_89 = tpu.memref_slice %arg7[%mul3A_74] : memref<10112xi32, #tpu.memory_space<vmem>> -> memref<128xi32, #tpu.memory_space<vmem>>
      %dma_wait3A_90 = arith.constant 0 : i32
      %dma_wait3A_91 = arith.constant 0 : i32
      %dma_wait3A_92 = tpu.memref_slice %arg2[%dma_wait3A_90, %dma_wait3A_91] : memref<10000x64xf32, #tpu.memory_space<hbm>> -> memref<10000x64xf32, #tpu.memory_space<hbm>>
      tpu.wait_indirect_dma semaphore(%arg11 : memref<!tpu.dma_semaphore, #tpu.memory_space<semaphore_mem>>) src(%dma_wait3A_92 : memref<10000x64xf32, #tpu.memory_space<hbm>>) dst(%dma_wait3A_88 : memref<128x64xf32, #tpu.memory_space<vmem>>)
      %ge3A = arith.constant 1 : i32
      %ge3A_93 = arith.cmpi sge, %add3A_72, %ge3A : i32
      %convert_element_type3A = arith.extui %ge3A_93 : i1 to i32
      %cond3A = arith.constant 0 : i32
      %cond3A_94 = arith.cmpi ne, %convert_element_type3A, %cond3A : i32
      scf.if %cond3A_94 {
        %sub3A = arith.constant 1 : i32
        %sub3A_144 = arith.subi %add3A_72, %sub3A : i32
        %dma_wait3A_145 = arith.constant 1 : i32
        %dma_wait3A_146 = arith.constant 0 : i32
        %dma_wait3A_147 = arith.constant 0 : i32
        %dma_wait3A_148 = tpu.memref_slice %arg9[%dma_wait3A_145, %dma_wait3A_146, %dma_wait3A_147] : memref<2x128x64xf32, #tpu.memory_space<vmem>> -> memref<1x128x64xf32, #tpu.memory_space<vmem>>
        %dma_wait3A_149 = tpu.memref_squeeze %dma_wait3A_148 : memref<1x128x64xf32, #tpu.memory_space<vmem>> -> memref<128x64xf32, #tpu.memory_space<vmem>>
        %dma_wait3A_150 = arith.constant 0 : i32
        %dma_wait3A_151 = tpu.memref_slice %arg8[%sub3A_144, %dma_wait3A_150] : memref<79x128xi32, #tpu.memory_space<vmem>> -> memref<1x128xi32, #tpu.memory_space<vmem>>
        %dma_wait3A_152 = tpu.memref_squeeze %dma_wait3A_151 : memref<1x128xi32, #tpu.memory_space<vmem>> -> memref<128xi32, #tpu.memory_space<vmem>>
        %dma_wait3A_153 = arith.constant 0 : i32
        %dma_wait3A_154 = arith.constant 0 : i32
        %dma_wait3A_155 = tpu.memref_slice %arg10[%dma_wait3A_153, %dma_wait3A_154] : memref<10240x64xf32, #tpu.memory_space<vmem_shared>> -> memref<10240x64xf32, #tpu.memory_space<vmem_shared>>
        tpu.wait_indirect_dma semaphore(%arg13 : memref<!tpu.dma_semaphore, #tpu.memory_space<semaphore_mem>>) src(%dma_wait3A_149 : memref<128x64xf32, #tpu.memory_space<vmem>>) dst(%dma_wait3A_155 : memref<10240x64xf32, #tpu.memory_space<vmem_shared>>)
      } else {
      }
      %dma_start3A_95 = arith.constant 0 : i32
      %dma_start3A_96 = arith.constant 0 : i32
      %dma_start3A_97 = arith.constant 0 : i32
      %dma_start3A_98 = tpu.memref_slice %arg9[%dma_start3A_95, %dma_start3A_96, %dma_start3A_97] : memref<2x128x64xf32, #tpu.memory_space<vmem>> -> memref<1x128x64xf32, #tpu.memory_space<vmem>>
      %dma_start3A_99 = tpu.memref_squeeze %dma_start3A_98 : memref<1x128x64xf32, #tpu.memory_space<vmem>> -> memref<128x64xf32, #tpu.memory_space<vmem>>
      %dma_start3A_100 = arith.constant 0 : i32
      %dma_start3A_101 = tpu.memref_slice %arg8[%add3A_72, %dma_start3A_100] : memref<79x128xi32, #tpu.memory_space<vmem>> -> memref<1x128xi32, #tpu.memory_space<vmem>>
      %dma_start3A_102 = tpu.memref_squeeze %dma_start3A_101 : memref<1x128xi32, #tpu.memory_space<vmem>> -> memref<128xi32, #tpu.memory_space<vmem>>
      %dma_start3A_103 = arith.constant 0 : i32
      %dma_start3A_104 = arith.constant 0 : i32
      %dma_start3A_105 = tpu.memref_slice %arg10[%dma_start3A_103, %dma_start3A_104] : memref<10240x64xf32, #tpu.memory_space<vmem_shared>> -> memref<10240x64xf32, #tpu.memory_space<vmem_shared>>
      tpu.enqueue_indirect_dma source(%dma_start3A_99 : memref<128x64xf32, #tpu.memory_space<vmem>>) target(%dma_start3A_105 : memref<10240x64xf32, #tpu.memory_space<vmem_shared>>) offsets(%dma_start3A_102 : memref<128xi32, #tpu.memory_space<vmem>>) semaphore(%arg12 : memref<!tpu.dma_semaphore, #tpu.memory_space<semaphore_mem>>) {add = true}
      %add3A_106 = arith.constant 1 : i32
      %add3A_107 = arith.addi %add3A_70, %add3A_106 : i32
      %mul3A_108 = arith.constant 128 : i32
      %mul3A_109 = arith.muli %add3A_107, %mul3A_108 : i32
      %dma_start3A_110 = arith.constant 1 : i32
      %dma_start3A_111 = arith.constant 0 : i32
      %dma_start3A_112 = arith.constant 0 : i32
      %dma_start3A_113 = tpu.memref_slice %arg9[%dma_start3A_110, %dma_start3A_111, %dma_start3A_112] : memref<2x128x64xf32, #tpu.memory_space<vmem>> -> memref<1x128x64xf32, #tpu.memory_space<vmem>>
      %dma_start3A_114 = tpu.memref_squeeze %dma_start3A_113 : memref<1x128x64xf32, #tpu.memory_space<vmem>> -> memref<128x64xf32, #tpu.memory_space<vmem>>
      %dma_start3A_115 = tpu.memref_slice %arg7[%mul3A_109] : memref<10112xi32, #tpu.memory_space<vmem>> -> memref<128xi32, #tpu.memory_space<vmem>>
      %dma_start3A_116 = arith.constant 0 : i32
      %dma_start3A_117 = arith.constant 0 : i32
      %dma_start3A_118 = tpu.memref_slice %arg2[%dma_start3A_116, %dma_start3A_117] : memref<10000x64xf32, #tpu.memory_space<hbm>> -> memref<10000x64xf32, #tpu.memory_space<hbm>>
      tpu.enqueue_indirect_dma source(%dma_start3A_118 : memref<10000x64xf32, #tpu.memory_space<hbm>>) target(%dma_start3A_114 : memref<128x64xf32, #tpu.memory_space<vmem>>) offsets(%dma_start3A_115 : memref<128xi32, #tpu.memory_space<vmem>>) semaphore(%arg11 : memref<!tpu.dma_semaphore, #tpu.memory_space<semaphore_mem>>)
      %dma_wait3A_119 = arith.constant 1 : i32
      %dma_wait3A_120 = arith.constant 0 : i32
      %dma_wait3A_121 = arith.constant 0 : i32
      %dma_wait3A_122 = tpu.memref_slice %arg9[%dma_wait3A_119, %dma_wait3A_120, %dma_wait3A_121] : memref<2x128x64xf32, #tpu.memory_space<vmem>> -> memref<1x128x64xf32, #tpu.memory_space<vmem>>
      %dma_wait3A_123 = tpu.memref_squeeze %dma_wait3A_122 : memref<1x128x64xf32, #tpu.memory_space<vmem>> -> memref<128x64xf32, #tpu.memory_space<vmem>>
      %dma_wait3A_124 = tpu.memref_slice %arg7[%mul3A_109] : memref<10112xi32, #tpu.memory_space<vmem>> -> memref<128xi32, #tpu.memory_space<vmem>>
      %dma_wait3A_125 = arith.constant 0 : i32
      %dma_wait3A_126 = arith.constant 0 : i32
      %dma_wait3A_127 = tpu.memref_slice %arg2[%dma_wait3A_125, %dma_wait3A_126] : memref<10000x64xf32, #tpu.memory_space<hbm>> -> memref<10000x64xf32, #tpu.memory_space<hbm>>
      tpu.wait_indirect_dma semaphore(%arg11 : memref<!tpu.dma_semaphore, #tpu.memory_space<semaphore_mem>>) src(%dma_wait3A_127 : memref<10000x64xf32, #tpu.memory_space<hbm>>) dst(%dma_wait3A_123 : memref<128x64xf32, #tpu.memory_space<vmem>>)
      %ge3A_128 = arith.constant 1 : i32
      %ge3A_129 = arith.cmpi sge, %add3A_107, %ge3A_128 : i32
      %convert_element_type3A_130 = arith.extui %ge3A_129 : i1 to i32
      %cond3A_131 = arith.constant 0 : i32
      %cond3A_132 = arith.cmpi ne, %convert_element_type3A_130, %cond3A_131 : i32
      scf.if %cond3A_132 {
        %sub3A = arith.constant 1 : i32
        %sub3A_144 = arith.subi %add3A_107, %sub3A : i32
        %dma_wait3A_145 = arith.constant 0 : i32
        %dma_wait3A_146 = arith.constant 0 : i32
        %dma_wait3A_147 = arith.constant 0 : i32
        %dma_wait3A_148 = tpu.memref_slice %arg9[%dma_wait3A_145, %dma_wait3A_146, %dma_wait3A_147] : memref<2x128x64xf32, #tpu.memory_space<vmem>> -> memref<1x128x64xf32, #tpu.memory_space<vmem>>
        %dma_wait3A_149 = tpu.memref_squeeze %dma_wait3A_148 : memref<1x128x64xf32, #tpu.memory_space<vmem>> -> memref<128x64xf32, #tpu.memory_space<vmem>>
        %dma_wait3A_150 = arith.constant 0 : i32
        %dma_wait3A_151 = tpu.memref_slice %arg8[%sub3A_144, %dma_wait3A_150] : memref<79x128xi32, #tpu.memory_space<vmem>> -> memref<1x128xi32, #tpu.memory_space<vmem>>
        %dma_wait3A_152 = tpu.memref_squeeze %dma_wait3A_151 : memref<1x128xi32, #tpu.memory_space<vmem>> -> memref<128xi32, #tpu.memory_space<vmem>>
        %dma_wait3A_153 = arith.constant 0 : i32
        %dma_wait3A_154 = arith.constant 0 : i32
        %dma_wait3A_155 = tpu.memref_slice %arg10[%dma_wait3A_153, %dma_wait3A_154] : memref<10240x64xf32, #tpu.memory_space<vmem_shared>> -> memref<10240x64xf32, #tpu.memory_space<vmem_shared>>
        tpu.wait_indirect_dma semaphore(%arg12 : memref<!tpu.dma_semaphore, #tpu.memory_space<semaphore_mem>>) src(%dma_wait3A_149 : memref<128x64xf32, #tpu.memory_space<vmem>>) dst(%dma_wait3A_155 : memref<10240x64xf32, #tpu.memory_space<vmem_shared>>)
      } else {
      }
      %dma_start3A_133 = arith.constant 1 : i32
      %dma_start3A_134 = arith.constant 0 : i32
      %dma_start3A_135 = arith.constant 0 : i32
      %dma_start3A_136 = tpu.memref_slice %arg9[%dma_start3A_133, %dma_start3A_134, %dma_start3A_135] : memref<2x128x64xf32, #tpu.memory_space<vmem>> -> memref<1x128x64xf32, #tpu.memory_space<vmem>>
      %dma_start3A_137 = tpu.memref_squeeze %dma_start3A_136 : memref<1x128x64xf32, #tpu.memory_space<vmem>> -> memref<128x64xf32, #tpu.memory_space<vmem>>
      %dma_start3A_138 = arith.constant 0 : i32
      %dma_start3A_139 = tpu.memref_slice %arg8[%add3A_107, %dma_start3A_138] : memref<79x128xi32, #tpu.memory_space<vmem>> -> memref<1x128xi32, #tpu.memory_space<vmem>>
      %dma_start3A_140 = tpu.memref_squeeze %dma_start3A_139 : memref<1x128xi32, #tpu.memory_space<vmem>> -> memref<128xi32, #tpu.memory_space<vmem>>
      %dma_start3A_141 = arith.constant 0 : i32
      %dma_start3A_142 = arith.constant 0 : i32
      %dma_start3A_143 = tpu.memref_slice %arg10[%dma_start3A_141, %dma_start3A_142] : memref<10240x64xf32, #tpu.memory_space<vmem_shared>> -> memref<10240x64xf32, #tpu.memory_space<vmem_shared>>
      tpu.enqueue_indirect_dma source(%dma_start3A_137 : memref<128x64xf32, #tpu.memory_space<vmem>>) target(%dma_start3A_143 : memref<10240x64xf32, #tpu.memory_space<vmem_shared>>) offsets(%dma_start3A_140 : memref<128xi32, #tpu.memory_space<vmem>>) semaphore(%arg13 : memref<!tpu.dma_semaphore, #tpu.memory_space<semaphore_mem>>) {add = true}
    }
    %scan3A_6 = arith.constant 39 : i32
    %dma_start3A = arith.constant 0 : i32
    %dma_start3A_7 = arith.constant 0 : i32
    %dma_start3A_8 = arith.constant 0 : i32
    %dma_start3A_9 = tpu.memref_slice %arg9[%dma_start3A, %dma_start3A_7, %dma_start3A_8] : memref<2x128x64xf32, #tpu.memory_space<vmem>> -> memref<1x128x64xf32, #tpu.memory_space<vmem>>
    %dma_start3A_10 = tpu.memref_squeeze %dma_start3A_9 : memref<1x128x64xf32, #tpu.memory_space<vmem>> -> memref<128x64xf32, #tpu.memory_space<vmem>>
    %dma_start3A_11 = arith.constant 9984 : i32
    %dma_start3A_12 = tpu.memref_slice %arg7[%dma_start3A_11] : memref<10112xi32, #tpu.memory_space<vmem>> -> memref<128xi32, #tpu.memory_space<vmem>>
    %dma_start3A_13 = arith.constant 0 : i32
    %dma_start3A_14 = arith.constant 0 : i32
    %dma_start3A_15 = tpu.memref_slice %arg2[%dma_start3A_13, %dma_start3A_14] : memref<10000x64xf32, #tpu.memory_space<hbm>> -> memref<10000x64xf32, #tpu.memory_space<hbm>>
    tpu.enqueue_indirect_dma source(%dma_start3A_15 : memref<10000x64xf32, #tpu.memory_space<hbm>>) target(%dma_start3A_10 : memref<128x64xf32, #tpu.memory_space<vmem>>) offsets(%dma_start3A_12 : memref<128xi32, #tpu.memory_space<vmem>>) semaphore(%arg11 : memref<!tpu.dma_semaphore, #tpu.memory_space<semaphore_mem>>)
    %dma_wait3A = arith.constant 0 : i32
    %dma_wait3A_16 = arith.constant 0 : i32
    %dma_wait3A_17 = arith.constant 0 : i32
    %dma_wait3A_18 = tpu.memref_slice %arg9[%dma_wait3A, %dma_wait3A_16, %dma_wait3A_17] : memref<2x128x64xf32, #tpu.memory_space<vmem>> -> memref<1x128x64xf32, #tpu.memory_space<vmem>>
    %dma_wait3A_19 = tpu.memref_squeeze %dma_wait3A_18 : memref<1x128x64xf32, #tpu.memory_space<vmem>> -> memref<128x64xf32, #tpu.memory_space<vmem>>
    %dma_wait3A_20 = arith.constant 9984 : i32
    %dma_wait3A_21 = tpu.memref_slice %arg7[%dma_wait3A_20] : memref<10112xi32, #tpu.memory_space<vmem>> -> memref<128xi32, #tpu.memory_space<vmem>>
    %dma_wait3A_22 = arith.constant 0 : i32
    %dma_wait3A_23 = arith.constant 0 : i32
    %dma_wait3A_24 = tpu.memref_slice %arg2[%dma_wait3A_22, %dma_wait3A_23] : memref<10000x64xf32, #tpu.memory_space<hbm>> -> memref<10000x64xf32, #tpu.memory_space<hbm>>
    tpu.wait_indirect_dma semaphore(%arg11 : memref<!tpu.dma_semaphore, #tpu.memory_space<semaphore_mem>>) src(%dma_wait3A_24 : memref<10000x64xf32, #tpu.memory_space<hbm>>) dst(%dma_wait3A_19 : memref<128x64xf32, #tpu.memory_space<vmem>>)
    %dma_wait3A_25 = arith.constant 1 : i32
    %dma_wait3A_26 = arith.constant 77 : i32
    %dma_wait3A_27 = arith.constant 0 : i32
    %dma_wait3A_28 = arith.constant 0 : i32
    %dma_wait3A_29 = tpu.memref_slice %arg9[%dma_wait3A_25, %dma_wait3A_27, %dma_wait3A_28] : memref<2x128x64xf32, #tpu.memory_space<vmem>> -> memref<1x128x64xf32, #tpu.memory_space<vmem>>
    %dma_wait3A_30 = tpu.memref_squeeze %dma_wait3A_29 : memref<1x128x64xf32, #tpu.memory_space<vmem>> -> memref<128x64xf32, #tpu.memory_space<vmem>>
    %dma_wait3A_31 = arith.constant 0 : i32
    %dma_wait3A_32 = tpu.memref_slice %arg8[%dma_wait3A_26, %dma_wait3A_31] : memref<79x128xi32, #tpu.memory_space<vmem>> -> memref<1x128xi32, #tpu.memory_space<vmem>>
    %dma_wait3A_33 = tpu.memref_squeeze %dma_wait3A_32 : memref<1x128xi32, #tpu.memory_space<vmem>> -> memref<128xi32, #tpu.memory_space<vmem>>
    %dma_wait3A_34 = arith.constant 0 : i32
    %dma_wait3A_35 = arith.constant 0 : i32
    %dma_wait3A_36 = tpu.memref_slice %arg10[%dma_wait3A_34, %dma_wait3A_35] : memref<10240x64xf32, #tpu.memory_space<vmem_shared>> -> memref<10240x64xf32, #tpu.memory_space<vmem_shared>>
    tpu.wait_indirect_dma semaphore(%arg13 : memref<!tpu.dma_semaphore, #tpu.memory_space<semaphore_mem>>) src(%dma_wait3A_30 : memref<128x64xf32, #tpu.memory_space<vmem>>) dst(%dma_wait3A_36 : memref<10240x64xf32, #tpu.memory_space<vmem_shared>>)
    %dma_start3A_37 = arith.constant 0 : i32
    %dma_start3A_38 = arith.constant 78 : i32
    %dma_start3A_39 = arith.constant 0 : i32
    %dma_start3A_40 = arith.constant 0 : i32
    %dma_start3A_41 = tpu.memref_slice %arg9[%dma_start3A_37, %dma_start3A_39, %dma_start3A_40] : memref<2x128x64xf32, #tpu.memory_space<vmem>> -> memref<1x128x64xf32, #tpu.memory_space<vmem>>
    %dma_start3A_42 = tpu.memref_squeeze %dma_start3A_41 : memref<1x128x64xf32, #tpu.memory_space<vmem>> -> memref<128x64xf32, #tpu.memory_space<vmem>>
    %dma_start3A_43 = arith.constant 0 : i32
    %dma_start3A_44 = tpu.memref_slice %arg8[%dma_start3A_38, %dma_start3A_43] : memref<79x128xi32, #tpu.memory_space<vmem>> -> memref<1x128xi32, #tpu.memory_space<vmem>>
    %dma_start3A_45 = tpu.memref_squeeze %dma_start3A_44 : memref<1x128xi32, #tpu.memory_space<vmem>> -> memref<128xi32, #tpu.memory_space<vmem>>
    %dma_start3A_46 = arith.constant 0 : i32
    %dma_start3A_47 = arith.constant 0 : i32
    %dma_start3A_48 = tpu.memref_slice %arg10[%dma_start3A_46, %dma_start3A_47] : memref<10240x64xf32, #tpu.memory_space<vmem_shared>> -> memref<10240x64xf32, #tpu.memory_space<vmem_shared>>
    tpu.enqueue_indirect_dma source(%dma_start3A_42 : memref<128x64xf32, #tpu.memory_space<vmem>>) target(%dma_start3A_48 : memref<10240x64xf32, #tpu.memory_space<vmem_shared>>) offsets(%dma_start3A_45 : memref<128xi32, #tpu.memory_space<vmem>>) semaphore(%arg12 : memref<!tpu.dma_semaphore, #tpu.memory_space<semaphore_mem>>) {add = true}
    %dma_wait3A_49 = arith.constant 0 : i32
    %dma_wait3A_50 = arith.constant 78 : i32
    %dma_wait3A_51 = arith.constant 0 : i32
    %dma_wait3A_52 = arith.constant 0 : i32
    %dma_wait3A_53 = tpu.memref_slice %arg9[%dma_wait3A_49, %dma_wait3A_51, %dma_wait3A_52] : memref<2x128x64xf32, #tpu.memory_space<vmem>> -> memref<1x128x64xf32, #tpu.memory_space<vmem>>
    %dma_wait3A_54 = tpu.memref_squeeze %dma_wait3A_53 : memref<1x128x64xf32, #tpu.memory_space<vmem>> -> memref<128x64xf32, #tpu.memory_space<vmem>>
    %dma_wait3A_55 = arith.constant 0 : i32
    %dma_wait3A_56 = tpu.memref_slice %arg8[%dma_wait3A_50, %dma_wait3A_55] : memref<79x128xi32, #tpu.memory_space<vmem>> -> memref<1x128xi32, #tpu.memory_space<vmem>>
    %dma_wait3A_57 = tpu.memref_squeeze %dma_wait3A_56 : memref<1x128xi32, #tpu.memory_space<vmem>> -> memref<128xi32, #tpu.memory_space<vmem>>
    %dma_wait3A_58 = arith.constant 0 : i32
    %dma_wait3A_59 = arith.constant 0 : i32
    %dma_wait3A_60 = tpu.memref_slice %arg10[%dma_wait3A_58, %dma_wait3A_59] : memref<10240x64xf32, #tpu.memory_space<vmem_shared>> -> memref<10240x64xf32, #tpu.memory_space<vmem_shared>>
    tpu.wait_indirect_dma semaphore(%arg12 : memref<!tpu.dma_semaphore, #tpu.memory_space<semaphore_mem>>) src(%dma_wait3A_54 : memref<128x64xf32, #tpu.memory_space<vmem>>) dst(%dma_wait3A_60 : memref<10240x64xf32, #tpu.memory_space<vmem_shared>>)
    %barrier3A_61 = arith.constant 0 : index
    tpu.barrier barrier_id(%barrier3A_61)
    %mul3A_62 = arith.constant 640 : i32
    %mul3A_63 = arith.muli %arg1, %mul3A_62 : i32
    %mul3A_64 = arith.constant 640 : i32
    %mul3A_65 = arith.muli %arg1, %mul3A_64 : i32
    "tpu.region"() ({
      %run_scoped3A = tpu.sem_alloc : memref<!tpu.dma_semaphore, #tpu.memory_space<semaphore_mem>>
      %dma_start3A_66 = arith.constant 0 : i32
      %dma_start3A_67 = tpu.memref_slice %arg6[%arg0, %mul3A_65, %dma_start3A_66] : memref<2x10240x64xf32, #tpu.memory_space<hbm>> -> memref<1x640x64xf32, #tpu.memory_space<hbm>>
      %dma_start3A_68 = tpu.memref_squeeze %dma_start3A_67 : memref<1x640x64xf32, #tpu.memory_space<hbm>> -> memref<640x64xf32, #tpu.memory_space<hbm>>
      %dma_start3A_69 = arith.constant 0 : i32
      %dma_start3A_70 = tpu.memref_slice %arg10[%mul3A_63, %dma_start3A_69] : memref<10240x64xf32, #tpu.memory_space<vmem_shared>> -> memref<640x64xf32, #tpu.memory_space<vmem_shared>>
      tpu.enqueue_dma source(%dma_start3A_70 : memref<640x64xf32, #tpu.memory_space<vmem_shared>>) target(%dma_start3A_68 : memref<640x64xf32, #tpu.memory_space<hbm>>) target_semaphore(%run_scoped3A : memref<!tpu.dma_semaphore, #tpu.memory_space<semaphore_mem>>)
      %dma_wait3A_71 = arith.constant 0 : i32
      %dma_wait3A_72 = tpu.memref_slice %arg6[%arg0, %mul3A_65, %dma_wait3A_71] : memref<2x10240x64xf32, #tpu.memory_space<hbm>> -> memref<1x640x64xf32, #tpu.memory_space<hbm>>
      %dma_wait3A_73 = tpu.memref_squeeze %dma_wait3A_72 : memref<1x640x64xf32, #tpu.memory_space<hbm>> -> memref<640x64xf32, #tpu.memory_space<hbm>>
      %dma_wait3A_74 = arith.constant 0 : i32
      %dma_wait3A_75 = tpu.memref_slice %arg10[%mul3A_63, %dma_wait3A_74] : memref<10240x64xf32, #tpu.memory_space<vmem_shared>> -> memref<640x64xf32, #tpu.memory_space<vmem_shared>>
      tpu.wait_dma2 semaphore(%run_scoped3A : memref<!tpu.dma_semaphore, #tpu.memory_space<semaphore_mem>>) src(%dma_wait3A_75 : memref<640x64xf32, #tpu.memory_space<vmem_shared>>) dst(%dma_wait3A_73 : memref<640x64xf32, #tpu.memory_space<hbm>>)
      tpu.yield
    }) : () -> ()
    return
  }
}

module attributes {stable_mosaic.version = 14 : i64} {
  func.func @_tc_in_body(%arg0: memref<2x10240x16xf32, #tpu.memory_space<vmem>>, %arg1: memref<10000x128xf32, #tpu.memory_space<vmem>>, %arg2: memref<128x64xf32, #tpu.memory_space<vmem>>, %arg3: memref<10000x64xf32, #tpu.memory_space<vmem>>) attributes {dimension_semantics = [], scalar_prefetch = 0 : i64, scratch_operands = 0 : i64, tpu.core_type = #tpu.core_type<tc>} {
    %get3A = arith.constant 0 : index
    %get3A_0 = arith.constant 0 : index
    %get3A_1 = arith.constant 0 : index
    %get3A_2 = vector.load %arg0[%get3A, %get3A_0, %get3A_1] : memref<2x10240x16xf32, #tpu.memory_space<vmem>>, vector<1x10000x1xf32>
    %get3A_3 = vector.shape_cast %get3A_2 : vector<1x10000x1xf32> to vector<10000x1xf32>
    %get3A_4 = arith.constant 1 : index
    %get3A_5 = arith.constant 0 : index
    %get3A_6 = arith.constant 0 : index
    %get3A_7 = vector.load %arg0[%get3A_4, %get3A_5, %get3A_6] : memref<2x10240x16xf32, #tpu.memory_space<vmem>>, vector<1x10000x1xf32>
    %get3A_8 = vector.shape_cast %get3A_7 : vector<1x10000x1xf32> to vector<10000x1xf32>
    %add3A = arith.addf %get3A_3, %get3A_8 : vector<10000x1xf32>
    %add3A_9 = arith.constant 1.000000e+00 : f32
    %add3A_10 = vector.broadcast %add3A_9 : f32 to vector<10000x1xf32>
    %add3A_11 = arith.addf %add3A, %add3A_10 : vector<10000x1xf32>
    %rsqrt3A = math.rsqrt %add3A_11 : vector<10000x1xf32>
    %get3A_12 = arith.constant 0 : index
    %get3A_13 = arith.constant 0 : index
    %get3A_14 = vector.load %arg1[%get3A_12, %get3A_13] : memref<10000x128xf32, #tpu.memory_space<vmem>>, vector<10000x128xf32>
    %get3A_15 = arith.constant 0 : index
    %get3A_16 = arith.constant 0 : index
    %get3A_17 = vector.load %arg2[%get3A_15, %get3A_16] : memref<128x64xf32, #tpu.memory_space<vmem>>, vector<128x64xf32>
    %dot_general3A = arith.constant dense<0.000000e+00> : vector<10000x64xf32>
    %dot_general3A_18 = tpu.matmul %get3A_14, %get3A_17, %dot_general3A {dimension_numbers = #tpu.dot_dimension_numbers<[1], [0], [0], [1], [0, 0, 1, 1], [], []>, transpose_lhs_hint = false} : vector<10000x128xf32>, vector<128x64xf32>, vector<10000x64xf32> -> vector<10000x64xf32>
    %mul3A = vector.broadcast %rsqrt3A : vector<10000x1xf32> to vector<10000x64xf32>
    %mul3A_19 = arith.mulf %dot_general3A_18, %mul3A : vector<10000x64xf32>
    %swap3A = arith.constant 0 : index
    %swap3A_20 = arith.constant 0 : index
    %swap3A_21 = vector.load %arg3[%swap3A, %swap3A_20] : memref<10000x64xf32, #tpu.memory_space<vmem>>, vector<10000x64xf32>
    tpu.vector_store %arg3[%swap3A, %swap3A_20], %mul3A_19 {strides = array<i32>} : memref<10000x64xf32, #tpu.memory_space<vmem>>, vector<10000x64xf32>,
    return
  }
}

module attributes {stable_mosaic.version = 14 : i64} {
  func.func @_tc_mid_body(%arg0: memref<2x10240x16xf32, #tpu.memory_space<vmem>>, %arg1: memref<2x10240x64xf32, #tpu.memory_space<vmem>>, %arg2: memref<10000x64xf32, #tpu.memory_space<vmem>>, %arg3: memref<64xf32, #tpu.memory_space<vmem>>, %arg4: memref<64x64xf32, #tpu.memory_space<vmem>>, %arg5: memref<10000x64xf32, #tpu.memory_space<vmem>>) attributes {dimension_semantics = [], scalar_prefetch = 0 : i64, scratch_operands = 0 : i64, tpu.core_type = #tpu.core_type<tc>} {
    %get3A = arith.constant 0 : index
    %get3A_0 = arith.constant 0 : index
    %get3A_1 = arith.constant 0 : index
    %get3A_2 = vector.load %arg0[%get3A, %get3A_0, %get3A_1] : memref<2x10240x16xf32, #tpu.memory_space<vmem>>, vector<1x10000x1xf32>
    %get3A_3 = vector.shape_cast %get3A_2 : vector<1x10000x1xf32> to vector<10000x1xf32>
    %get3A_4 = arith.constant 1 : index
    %get3A_5 = arith.constant 0 : index
    %get3A_6 = arith.constant 0 : index
    %get3A_7 = vector.load %arg0[%get3A_4, %get3A_5, %get3A_6] : memref<2x10240x16xf32, #tpu.memory_space<vmem>>, vector<1x10000x1xf32>
    %get3A_8 = vector.shape_cast %get3A_7 : vector<1x10000x1xf32> to vector<10000x1xf32>
    %add3A = arith.addf %get3A_3, %get3A_8 : vector<10000x1xf32>
    %add3A_9 = arith.constant 1.000000e+00 : f32
    %add3A_10 = vector.broadcast %add3A_9 : f32 to vector<10000x1xf32>
    %add3A_11 = arith.addf %add3A, %add3A_10 : vector<10000x1xf32>
    %rsqrt3A = math.rsqrt %add3A_11 : vector<10000x1xf32>
    %get3A_12 = arith.constant 0 : index
    %get3A_13 = arith.constant 0 : index
    %get3A_14 = arith.constant 0 : index
    %get3A_15 = vector.load %arg1[%get3A_12, %get3A_13, %get3A_14] : memref<2x10240x64xf32, #tpu.memory_space<vmem>>, vector<1x10000x64xf32>
    %get3A_16 = vector.shape_cast %get3A_15 : vector<1x10000x64xf32> to vector<10000x64xf32>
    %get3A_17 = arith.constant 1 : index
    %get3A_18 = arith.constant 0 : index
    %get3A_19 = arith.constant 0 : index
    %get3A_20 = vector.load %arg1[%get3A_17, %get3A_18, %get3A_19] : memref<2x10240x64xf32, #tpu.memory_space<vmem>>, vector<1x10000x64xf32>
    %get3A_21 = vector.shape_cast %get3A_20 : vector<1x10000x64xf32> to vector<10000x64xf32>
    %add3A_22 = arith.addf %get3A_16, %get3A_21 : vector<10000x64xf32>
    %get3A_23 = arith.constant 0 : index
    %get3A_24 = arith.constant 0 : index
    %get3A_25 = vector.load %arg2[%get3A_23, %get3A_24] : memref<10000x64xf32, #tpu.memory_space<vmem>>, vector<10000x64xf32>
    %add3A_26 = arith.addf %add3A_22, %get3A_25 : vector<10000x64xf32>
    %mul3A = vector.broadcast %rsqrt3A : vector<10000x1xf32> to vector<10000x64xf32>
    %mul3A_27 = arith.mulf %mul3A, %add3A_26 : vector<10000x64xf32>
    %get3A_28 = arith.constant 0 : index
    %get3A_29 = vector.load %arg3[%get3A_28] : memref<64xf32, #tpu.memory_space<vmem>>, vector<64xf32>
    %broadcast_in_dim3A = vector.shape_cast %get3A_29 : vector<64xf32> to vector<1x64xf32>
    %add3A_30 = vector.broadcast %broadcast_in_dim3A : vector<1x64xf32> to vector<10000x64xf32>
    %add3A_31 = arith.addf %mul3A_27, %add3A_30 : vector<10000x64xf32>
    %max3A = arith.constant 0.000000e+00 : f32
    %max3A_32 = vector.broadcast %max3A : f32 to vector<10000x64xf32>
    %max3A_33 = arith.maximumf %add3A_31, %max3A_32 : vector<10000x64xf32>
    %get3A_34 = arith.constant 0 : index
    %get3A_35 = arith.constant 0 : index
    %get3A_36 = vector.load %arg4[%get3A_34, %get3A_35] : memref<64x64xf32, #tpu.memory_space<vmem>>, vector<64x64xf32>
    %dot_general3A = arith.constant dense<0.000000e+00> : vector<10000x64xf32>
    %dot_general3A_37 = tpu.matmul %max3A_33, %get3A_36, %dot_general3A {dimension_numbers = #tpu.dot_dimension_numbers<[1], [0], [0], [1], [0, 0, 1, 1], [], []>, transpose_lhs_hint = false} : vector<10000x64xf32>, vector<64x64xf32>, vector<10000x64xf32> -> vector<10000x64xf32>
    %mul3A_38 = vector.broadcast %rsqrt3A : vector<10000x1xf32> to vector<10000x64xf32>
    %mul3A_39 = arith.mulf %dot_general3A_37, %mul3A_38 : vector<10000x64xf32>
    %swap3A = arith.constant 0 : index
    %swap3A_40 = arith.constant 0 : index
    %swap3A_41 = vector.load %arg5[%swap3A, %swap3A_40] : memref<10000x64xf32, #tpu.memory_space<vmem>>, vector<10000x64xf32>
    tpu.vector_store %arg5[%swap3A, %swap3A_40], %mul3A_39 {strides = array<i32>} : memref<10000x64xf32, #tpu.memory_space<vmem>>, vector<10000x64xf32>,
    return
  }
}

module attributes {stable_mosaic.version = 14 : i64} {
  func.func @_tc_head_body(%arg0: memref<2x10240x16xf32, #tpu.memory_space<vmem>>, %arg1: memref<2x10240x64xf32, #tpu.memory_space<vmem>>, %arg2: memref<10000x64xf32, #tpu.memory_space<vmem>>, %arg3: memref<64xf32, #tpu.memory_space<vmem>>, %arg4: memref<128x64xf32, #tpu.memory_space<vmem>>, %arg5: memref<64xf32, #tpu.memory_space<vmem>>, %arg6: memref<64x1xf32, #tpu.memory_space<vmem>>, %arg7: memref<1xf32, #tpu.memory_space<vmem>>, %arg8: memref<1x1xf32, #tpu.memory_space<vmem>>) attributes {dimension_semantics = [], scalar_prefetch = 0 : i64, scratch_operands = 0 : i64, tpu.core_type = #tpu.core_type<tc>} {
    %get3A = arith.constant 0 : index
    %get3A_0 = arith.constant 0 : index
    %get3A_1 = arith.constant 0 : index
    %get3A_2 = vector.load %arg0[%get3A, %get3A_0, %get3A_1] : memref<2x10240x16xf32, #tpu.memory_space<vmem>>, vector<1x10000x1xf32>
    %get3A_3 = vector.shape_cast %get3A_2 : vector<1x10000x1xf32> to vector<10000x1xf32>
    %get3A_4 = arith.constant 1 : index
    %get3A_5 = arith.constant 0 : index
    %get3A_6 = arith.constant 0 : index
    %get3A_7 = vector.load %arg0[%get3A_4, %get3A_5, %get3A_6] : memref<2x10240x16xf32, #tpu.memory_space<vmem>>, vector<1x10000x1xf32>
    %get3A_8 = vector.shape_cast %get3A_7 : vector<1x10000x1xf32> to vector<10000x1xf32>
    %add3A = arith.addf %get3A_3, %get3A_8 : vector<10000x1xf32>
    %add3A_9 = arith.constant 1.000000e+00 : f32
    %add3A_10 = vector.broadcast %add3A_9 : f32 to vector<10000x1xf32>
    %add3A_11 = arith.addf %add3A, %add3A_10 : vector<10000x1xf32>
    %rsqrt3A = math.rsqrt %add3A_11 : vector<10000x1xf32>
    %get3A_12 = arith.constant 0 : index
    %get3A_13 = arith.constant 0 : index
    %get3A_14 = arith.constant 0 : index
    %get3A_15 = vector.load %arg1[%get3A_12, %get3A_13, %get3A_14] : memref<2x10240x64xf32, #tpu.memory_space<vmem>>, vector<1x10000x64xf32>
    %get3A_16 = vector.shape_cast %get3A_15 : vector<1x10000x64xf32> to vector<10000x64xf32>
    %get3A_17 = arith.constant 1 : index
    %get3A_18 = arith.constant 0 : index
    %get3A_19 = arith.constant 0 : index
    %get3A_20 = vector.load %arg1[%get3A_17, %get3A_18, %get3A_19] : memref<2x10240x64xf32, #tpu.memory_space<vmem>>, vector<1x10000x64xf32>
    %get3A_21 = vector.shape_cast %get3A_20 : vector<1x10000x64xf32> to vector<10000x64xf32>
    %add3A_22 = arith.addf %get3A_16, %get3A_21 : vector<10000x64xf32>
    %get3A_23 = arith.constant 0 : index
    %get3A_24 = arith.constant 0 : index
    %get3A_25 = vector.load %arg2[%get3A_23, %get3A_24] : memref<10000x64xf32, #tpu.memory_space<vmem>>, vector<10000x64xf32>
    %add3A_26 = arith.addf %add3A_22, %get3A_25 : vector<10000x64xf32>
    %mul3A = vector.broadcast %rsqrt3A : vector<10000x1xf32> to vector<10000x64xf32>
    %mul3A_27 = arith.mulf %mul3A, %add3A_26 : vector<10000x64xf32>
    %get3A_28 = arith.constant 0 : index
    %get3A_29 = vector.load %arg3[%get3A_28] : memref<64xf32, #tpu.memory_space<vmem>>, vector<64xf32>
    %broadcast_in_dim3A = vector.shape_cast %get3A_29 : vector<64xf32> to vector<1x64xf32>
    %add3A_30 = vector.broadcast %broadcast_in_dim3A : vector<1x64xf32> to vector<10000x64xf32>
    %add3A_31 = arith.addf %mul3A_27, %add3A_30 : vector<10000x64xf32>
    %reduce_sum3A = arith.constant dense<0.000000e+00> : vector<64xf32>
    %reduce_sum3A_32 = vector.multi_reduction <add>, %add3A_31, %reduce_sum3A [0] : vector<10000x64xf32> to vector<64xf32>
    %broadcast_in_dim3A_33 = vector.shape_cast %reduce_sum3A_32 : vector<64xf32> to vector<1x64xf32>
    %div3A = arith.constant 1.000000e+04 : f32
    %div3A_34 = vector.broadcast %div3A : f32 to vector<1x64xf32>
    %div3A_35 = arith.divf %broadcast_in_dim3A_33, %div3A_34 : vector<1x64xf32>
    %reduce_max3A = arith.constant dense<0xFF800000> : vector<64xf32>
    %reduce_max3A_36 = vector.multi_reduction <maximumf>, %add3A_31, %reduce_max3A [0] : vector<10000x64xf32> to vector<64xf32>
    %broadcast_in_dim3A_37 = vector.shape_cast %reduce_max3A_36 : vector<64xf32> to vector<1x64xf32>
    %concatenate3A = tpu.concatenate %div3A_35, %broadcast_in_dim3A_37 in 1 : vector<1x64xf32>, vector<1x64xf32> -> vector<1x128xf32>
    %get3A_38 = arith.constant 0 : index
    %get3A_39 = arith.constant 0 : index
    %get3A_40 = vector.load %arg4[%get3A_38, %get3A_39] : memref<128x64xf32, #tpu.memory_space<vmem>>, vector<128x64xf32>
    %dot_general3A = arith.constant dense<0.000000e+00> : vector<1x64xf32>
    %dot_general3A_41 = tpu.matmul %concatenate3A, %get3A_40, %dot_general3A {dimension_numbers = #tpu.dot_dimension_numbers<[1], [0], [0], [1], [0, 0, 1, 1], [], []>, transpose_lhs_hint = false} : vector<1x128xf32>, vector<128x64xf32>, vector<1x64xf32> -> vector<1x64xf32>
    %get3A_42 = arith.constant 0 : index
    %get3A_43 = vector.load %arg5[%get3A_42] : memref<64xf32, #tpu.memory_space<vmem>>, vector<64xf32>
    %broadcast_in_dim3A_44 = vector.shape_cast %get3A_43 : vector<64xf32> to vector<1x64xf32>
    %add3A_45 = arith.addf %dot_general3A_41, %broadcast_in_dim3A_44 : vector<1x64xf32>
    %max3A = arith.constant 0.000000e+00 : f32
    %max3A_46 = vector.broadcast %max3A : f32 to vector<1x64xf32>
    %max3A_47 = arith.maximumf %add3A_45, %max3A_46 : vector<1x64xf32>
    %get3A_48 = arith.constant 0 : index
    %get3A_49 = arith.constant 0 : index
    %get3A_50 = vector.load %arg6[%get3A_48, %get3A_49] : memref<64x1xf32, #tpu.memory_space<vmem>>, vector<64x1xf32>
    %dot_general3A_51 = arith.constant dense<0.000000e+00> : vector<1x1xf32>
    %dot_general3A_52 = tpu.matmul %max3A_47, %get3A_50, %dot_general3A_51 {dimension_numbers = #tpu.dot_dimension_numbers<[1], [0], [0], [1], [0, 0, 1, 1], [], []>, transpose_lhs_hint = false} : vector<1x64xf32>, vector<64x1xf32>, vector<1x1xf32> -> vector<1x1xf32>
    %get3A_53 = arith.constant 0 : index
    %get3A_54 = vector.load %arg7[%get3A_53] : memref<1xf32, #tpu.memory_space<vmem>>, vector<1xf32>
    %broadcast_in_dim3A_55 = vector.shape_cast %get3A_54 : vector<1xf32> to vector<1x1xf32>
    %add3A_56 = arith.addf %dot_general3A_52, %broadcast_in_dim3A_55 : vector<1x1xf32>
    %logistic3A = arith.negf %add3A_56 : vector<1x1xf32>
    %logistic3A_57 = math.exp %logistic3A : vector<1x1xf32>
    %logistic3A_58 = arith.constant 1.000000e+00 : f32
    %logistic3A_59 = vector.broadcast %logistic3A_58 : f32 to vector<1x1xf32>
    %logistic3A_60 = arith.addf %logistic3A_59, %logistic3A_57 : vector<1x1xf32>
    %logistic3A_61 = arith.divf %logistic3A_59, %logistic3A_60 : vector<1x1xf32>
    %swap3A = arith.constant 0 : index
    %swap3A_62 = arith.constant 0 : index
    %swap3A_63 = vector.load %arg8[%swap3A, %swap3A_62] : memref<1x1xf32, #tpu.memory_space<vmem>>, vector<1x1xf32>
    tpu.vector_store %arg8[%swap3A, %swap3A_62], %logistic3A_61 {strides = array<i32>} : memref<1x1xf32, #tpu.memory_space<vmem>>, vector<1x1xf32>,
    return
  }
}

</mosaic_0001>

<sc_bundles>
// kernel: kernel.11.cloned.1.call-start
scs
__scs_entry_jumppad:
0x0: {  	(pc) =	sbr.rel $0x88, $3  }
0x1: {  	(tag) =	ssettag $0x0;
	lr =	simm.s32 $0x1  }
0x2: {  	[smem:$0x3F97] =	sst lr;
	_ =	strace $0xD0000000  }
0x3: {  	_ = 	snop  }
0x4: {  	_ = 	snop  }
0x5: {  	_ = 	snop  }
0x6: {  	_ = 	snop  }
0x7: {  	_ = 	snop  }
__scs_overlays_trampoline_lowered:
0x8: {  	[smem:$0x3FA6] =	sst s0  }
0x9: {  	[smem:$0x3FA7] =	sst s1  }
0xa: {  	[smem:$0x3FA8] =	sst s2  }
0xb: {  	[smem:$0x3FA9] =	sst s3  }
0xc: {  	[smem:$0x3FAA] =	sst s4  }
0xd: {  	[smem:$0x3FAB] =	sst s5  }
0xe: {  	[smem:$0x3FAC] =	sst s6  }
0xf: {  	[smem:$0x3FAD] =	sst s7  }
0x10: {  	[smem:$0x3FAE] =	sst s8  }
0x11: {  	[smem:$0x3FAF] =	sst s9;
	s0 =	simm.s32 @!p0 $0x0  }
0x12: {  	s1 =	sld [smem:$0x3F95];
	s0 =	simm.s32 @p0 $0x1  }
0x13: {  	[smem:$0x3FB0] =	sst s0;
	s0 =	simm.s32 @!p1 $0x0  }
0x14: {  	s2 =	sld [smem:$0x3F94];
	s0 =	simm.s32 @p1 $0x1  }
0x15: {  	[smem:$0x3FB1] =	sst s0;
	s0 =	simm.s32 @!p2 $0x0  }
0x16: {  	s3 =	sld [smem:$0x3FDB];
	s0 =	simm.s32 @p2 $0x1  }
0x17: {  	s4 =	simm.s32 $0x1BF5;
	[smem:$0x3FB3] =	sst s0  }
0x18: {  	s0 =	sld [smem:$0x3F96];
	_ =	swait.ge [sflag:s4], $0x0  }
0x19: {  	s7 =	sld [smem:$0x3F97]  }
0x1a: {  	s8 =	sadd.s32 $0xFFFFE003, lr  }
0x1b: {  	s9 =	sadd.s32 $0xFFFFFEF7, lr;
	s5 =	simm.s32 $0xFFFFFFFF;
	p2 =	slt.u32 s8, $0xFFFFF086  }
0x1c: {  	p1 =	slt.u32 s9, $0xF7A;
	s5 =	simm.s32 @!p2 $0x0  }
0x1d: {  	s5 =	simm.s32 @p1 $0x1;
	p0 =	seq.s32 s7, s2  }
0x1e: {  	s7 =	smul.u32 @!p0 $0xF7A, s2;
	p2 =	seq.s32 @!p0 s5, $0x0  }
0x1f: {  	s9 =	smul.u32 $0xF7A, s1;
	s8 =	simm.s32 @!p0 $0x1BF5;
	p2 =	por !p2, p0  }
0x20: {  	[sflag:s8] =	ssyncset.s32 @!p0 $0xFFFFF086;
	s6 =	sadd.s32 @!p0 s3, s7;
	s7 =	simm.s32 @!p0 $0x108  }
0x21: {  	s3 =	sadd.s32 s3, s9;
	s6 =	sadd.s32 @!p0 $0x88, s6;
	s7 =	simm.s32 @p2 $0x1082  }
0x22: {  	[simem:s7], [sflag:s8] =	dma.local @!p0 [hbm:s6], $0xF7A  }
0x23: {  	s9 =	sor.u32 $0xD0000000, s2;
	s6 =	simm.s32 $0x108;
	_ =	swait.ge @!p0 [sflag:s8], $0x0  }
0x24: {  	s3 =	sadd.s32 $0x88, s3;
	s6 =	simm.s32 @!p1 $0x1082;
	[sflag:s4] =	ssyncset.s32 $0xFFFFF086  }
0x25: {  	[simem:s6], [sflag:s4] =	dma.local [hbm:s3], $0xF7A  }
0x26: {  	[smem:$0x3F97] =	sst s1;
	(tag) =	ssettag s2;
	_ =	strace s9  }
0x27: {  	s1 =	sld [smem:$0x3FA7]  }
0x28: {  	s2 =	sld [smem:$0x3FA8]  }
0x29: {  	s4 =	sld [smem:$0x3FAA]  }
0x2a: {  	p0 =	seq.s32 s5, $0x0;
	s5 =	sld [smem:$0x3FAB]  }
0x2b: {  	s6 =	sld [smem:$0x3FAC]  }
0x2c: {  	s7 =	sld [smem:$0x3FAD]  }
0x2d: {  	s3 =	simm.s32 $0x108;
	s8 =	sld [smem:$0x3FAE]  }
0x2e: {  	s3 =	simm.s32 @!p0 $0x1082;
	s9 =	sld [smem:$0x3FAF]  }
0x2f: {  	lr =	sadd.s32 s0, s3;
	s0 =	sld [smem:$0x3FA6]  }
0x30: {  	s3 =	sld [smem:$0x3FA9]  }
0x31: {  	[smem:$0x3FB2] =	sst s10  }
0x32: {  	s10 =	sld [smem:$0x3FB0];
	_ =	sdelay $0x3  }
0x33: {  	p0 =	seq.s32 s10, $0x1;
	s10 =	sld [smem:$0x3FB2];
	_ =	sdelay $0x3  }
0x34: {  	[smem:$0x3FB2] =	sst s10  }
0x35: {  	s10 =	sld [smem:$0x3FB1];
	_ =	sdelay $0x3  }
0x36: {  	p1 =	seq.s32 s10, $0x1;
	s10 =	sld [smem:$0x3FB2];
	_ =	sdelay $0x3  }
0x37: {  	[smem:$0x3FB2] =	sst s10  }
0x38: {  	s10 =	sld [smem:$0x3FB3]  }
0x39: {  	_ = 	snop;
	(pc) =	sbr.ind lr, $3  }
0x3a: {  	_ = 	snop  }
0x3b: {  	_ = 	snop  }
0x3c: {  	p2 =	seq.s32 s10, $0x1;
	s10 =	sld [smem:$0x3FB2]  }
0x3d: {  	_ =	shalt  }
0x3e: {  	_ =	shalt  }
0x3f: {  	_ =	shalt  }
0x40: {  	_ =	shalt  }
0x41: {  	_ =	shalt  }
0x42: {  	_ =	shalt  }
0x43: {  	_ =	shalt  }
0x44: {  	_ =	shalt  }
0x45: {  	_ =	shalt  }
0x46: {  	_ =	shalt  }
0x47: {  	_ =	shalt  }
0x48: {  	_ =	shalt  }
0x49: {  	_ =	shalt  }
0x4a: {  	_ =	shalt  }
0x4b: {  	_ =	shalt  }
0x4c: {  	_ =	shalt  }
0x4d: {  	_ =	shalt  }
0x4e: {  	_ =	shalt  }
0x4f: {  	_ =	shalt  }
0x50: {  	_ =	shalt  }
0x51: {  	_ =	shalt  }
0x52: {  	_ =	shalt  }
0x53: {  	_ =	shalt  }
0x54: {  	_ =	shalt  }
0x55: {  	_ =	shalt  }
0x56: {  	_ =	shalt  }
0x57: {  	_ =	shalt  }
0x58: {  	_ =	shalt  }
0x59: {  	_ =	shalt  }
0x5a: {  	_ =	shalt  }
0x5b: {  	_ =	shalt  }
0x5c: {  	_ =	shalt  }
0x5d: {  	_ =	shalt  }
0x5e: {  	_ =	shalt  }
0x5f: {  	_ =	shalt  }
0x60: {  	_ =	shalt  }
0x61: {  	_ =	shalt  }
0x62: {  	_ =	shalt  }
0x63: {  	_ =	shalt  }
0x64: {  	_ =	shalt  }
0x65: {  	_ =	shalt  }
0x66: {  	_ =	shalt  }
0x67: {  	_ =	shalt  }
0x68: {  	_ =	shalt  }
0x69: {  	_ =	shalt  }
0x6a: {  	_ =	shalt  }
0x6b: {  	_ =	shalt  }
0x6c: {  	_ =	shalt  }
0x6d: {  	_ =	shalt  }
0x6e: {  	_ =	shalt  }
0x6f: {  	_ =	shalt  }
0x70: {  	_ =	shalt  }
0x71: {  	_ =	shalt  }
0x72: {  	_ =	shalt  }
0x73: {  	_ =	shalt  }
0x74: {  	_ =	shalt  }
0x75: {  	_ =	shalt  }
0x76: {  	_ =	shalt  }
0x77: {  	_ =	shalt  }
0x78: {  	_ =	shalt  }
0x79: {  	_ =	shalt  }
0x7a: {  	_ =	shalt  }
0x7b: {  	_ =	shalt  }
0x7c: {  	_ =	shalt  }
0x7d: {  	_ =	shalt  }
0x7e: {  	_ =	shalt  }
0x7f: {  	_ =	shalt  }
0x80: {  	_ =	shalt  }
0x81: {  	_ =	shalt  }
0x82: {  	_ =	shalt  }
0x83: {  	_ =	shalt  }
0x84: {  	_ =	shalt  }
0x85: {  	_ =	shalt  }
0x86: {  	_ =	shalt  }
0x87: {  	_ =	shalt  }
.Lfunc_end0:
.L_simem_size_0:
called_computation.1_lowered:
.L_overlay_start_0:
0x88: {  	s2 =	sld [smem:$0x3FD9]  }
0x89: {  	s3 =	sld [smem:$0x3FFE];
	_ =	sdelay $0x1  }
0x8a: {  	s1 =	srdreg.scid  }
0x8b: {  	s0 =	sand.u32 $0x1, s1  }
0x8c: {  	s16 =	sshll.u32 s0, $0xA;
	s2 =	sadd.s32 s3, s2  }
0x8d: {  	s2 =	sadd.s32 s2, s16  }
0x8e: {  	[smem:$0x3FBE] =	sst s2  }
0x8f: {  	_ = 	snop  }
0x90: {  	(tm) =	ssettm $0x1  }
0x91: {  	s17 =	sld [smem:$0x3FFB];
	_ =	sdelay $0x3  }
0x92: {  	_ =	strace s17  }
0x93: {  	s2 =	sld [smem:$0x3FFC];
	_ =	sdelay $0x3  }
0x94: {  	_ =	strace s2  }
0x95: {  	s2 =	sld [smem:$0x3FFD];
	_ =	sdelay $0x3  }
0x96: {  	_ =	strace s2  }
0x97: {  	_ =	strace $0x8FFFFFFF  }
0x98: {  	s18 =	sld [smem:$0x3FDB];
	_ =	sdelay $0x1  }
0x99: {  	s19 =	simm.s32 $_scs_section_size  }
0x9a: {  	s4 =	simm.s32 $_size__tile_overlayer_lowered;
	s5 =	simm.s32 $_tile_overlayer_lowered  }
0x9b: {  	s22 =	simm.s32 $0x1BFF;
	s21 =	sshll.u32 s5, $0x1;
	s2 =	sadd.s32 s19, s18  }
0x9c: {  	s6 =	simm.s32 $0x0;
	s20 =	sshll.u32 s4, $0x1;
	s4 =	sadd.s32 s21, s2  }
0x9d: {  	[timem:s6], [sflag:s22] =	dma.local [hbm:s4], s20  }
0x9e: {  	_ =	swait.ge [sflag:s22], s20  }
0x9f: {  	s3 =	ssub.s32 $0x0, s20;
	[sflag:s22] =	ssyncset.done $0x0  }
0xa0: {  	[sflag:s22] =	ssyncadd.s32 s3;
	_ =	sdelay $0x1  }
0xa1: {  	s23 =	simm.s32 $0x1B8B  }
0xa2: {  	_ =	swait.ge [sflag:s23], $0x1  }
0xa3: {  	[sflag:s23] =	ssyncset.done $0x0  }
0xa4: {  	s25 =	simm.s32 $0x1B8E;
	s24 =	sld [smem:$0x3FFE];
	[sflag:s23] =	ssyncadd.s32 $0xFFFFFFFF  }
0xa5: {  	s26 =	simm.s32 $execute0_lowered;
	[smem:$0x3FD2] =	sst s25  }
0xa6: {  	s4 =	sshll.u32 s26, $0x1;
	_ =	strace $0x80000049;
	[dreg:$0x1] =	wrdreg $0xFFFFFFFF  }
0xa7: {  	s28 =	simm.s32 $_size_execute0_lowered;
	s2 =	sadd.s32 s2, s4;
	[dreg:$0x0] =	wrdreg $0x0  }
0xa8: {  	s4 =	sshll.u32 s28, $0x1;
	[dreg:$0x2] =	wrdreg s2  }
0xa9: {  	[dreg:$0x3] =	wrdreg s4  }
0xaa: {  	[dreg:$0x4] =	wrdreg $0xC0  }
0xab: {  	_ =	task [dreg:s6], $0x5FFFF  }
0xac: {  	[dreg:$0x1] =	wrdreg $0xFFFFFFFF  }
0xad: {  	[dreg:$0x0] =	wrdreg $0x60  }
0xae: {  	[dreg:$0x2] =	wrdreg s24  }
0xaf: {  	[dreg:$0x3] =	wrdreg $0x8F000  }
0xb0: {  	[dreg:$0x4] =	wrdreg $0x9  }
0xb1: {  	_ =	task.clear_ibuf [dreg:s6], $0x5FFFF;
	_ =	strace $0x90000049  }
0xb2: {  	s29 =	simm.s32 $0x9;
	_ =	strace $0x8000004B  }
0xb3: {  	_ =	swait.ge [sflag:s29], $0x1  }
0xb4: {  	[sflag:s29] =	ssyncadd.s32 $0xFFFFFFFF  }
0xb5: {  	_ =	strace $0x9000004B  }
0xb6: {  	_ =	sfence  }
0xb7: {  	s30 =	sld [smem:$0x0];
	_ =	sdelay $0x2  }
0xb8: {  	s31 =	sshll.u32 s1, $0xD;
	s1 =	sshrl.u32 s1, $0x2  }
0xb9: {  	s3 =	sand.u32 $0x4000, s31;
	s1 =	sadd.s32 s1, s30  }
0xba: {  	s0 =	sor.u32 s3, s0;
	s1 =	sshll.u32 s1, $0x11  }
0xbb: {  	s0 =	sor.u32 s1, s0  }
0xbc: {  	s0 =	sadd.s32 $0x8F2B, s0  }
0xbd: {  	[sflag:s0] =	ssyncadd.remote.s32 $0x1  }
0xbe: {  	_ =	sfence.sel $0xFFFF  }
0xbf: {  	[dreg:$0x0] =	wrdreg $0xFFFFFFFF;
	(pc) =	sbr.abs _section_cstart, $3  }
0xc0: {  	[dreg:$0x1] =	wrdreg $0xFFFFFFFF  }
0xc1: {  	_ =	task.clear_ibuf [dreg:s6], $0x2FFFF;
	_ =	strace $0x9FFFFFFF  }
0xc2: {  	(tm) =	ssettm $0x7FFFFFFF  }
0xc3: {  	_ =	shalt  }
tec
execute0_lowered:
.L_overlay_start_1:
0x0: {  	(tag) =	ssettag $0x1  }
0x1: {  	s6 =	rddreg [dreg:$0x0];
	s0 =	srdreg.scid  }
0x2: {  	s2 =	rddreg [dreg:$0x1];
	s1 =	stileid.u32  }
0x3: {  	s3 =	simm.s32 $0x0;
	s13 =	simm.s32 $0x2780;
	s14 =	simm.s32 $0x80  }
0x4: {  	s15 =	simm.s32 $0x4F00;
	s16 =	simm.s32 $0x1;
	s17 =	simm.s32 $0x6F00  }
0x5: {  	s18 =	simm.s32 $0x2;
	s19 =	simm.s32 $0x2800;
	s20 =	simm.s32 $0x3  }
0x6: {  	s21 =	simm.s32 $0x2700;
	s22 =	simm.s32 $0x4E80;
	s23 =	simm.s32 $0x0  }
0x7: {  	s5 =	sand.u32 $0x1, s0;
	s0 =	rddreg [dreg:$0x2];
	s7 =	smul.u32 $0xA000, s1  }
0x8: {  	[smem:$0x7FF] =	sst s3;
	s31 =	sshll.u32 s1, $0x6;
	s4 =	sshll.u32 s5, $0x4  }
0x9: {  	s8 =	smul.u32 $0xA0000, s5;
	_ =	strace $0x8000004A;
	s10 =	ssub.s32 $0x2, s5  }
0xa: {  	s5 =	sadd.s32 $0xB800, s6;
	s4 =	sor.u32 s1, s4;
	s30 =	sshrl.u32 s10, $0x1  }
0xb: {  	s12 =	sadd.s32 s7, s2;
	s9 =	smul.u32 $0x4F0, s4;
	s8 =	sadd.s32 s7, s8  }
0xc: {  	s4 =	sadd.s32 $0x1FE00, s6;
	s10 =	ssub.s32 s10, s30;
	s8 =	sshrl.u32 s8, $0x3  }
0xd: {  	s10 =	smax.u32 s10, $0x1;
	s9 =	sadd.s32 s9, s6;
	s11 =	sadd.s32 s8, s6  }
0xe: {  	s6 =	sor.u32 $0x1C04, s31;
	s7 =	sadd.s32 $0x16000, s9;
	s8 =	sadd.s32 $0x1A00, s9  }
0xf: {  	s9 =	sadd.s32 $0x33800, s11;
	s11 =	sshrl.u32 s12, $0x3;
	s12 =	simm.s32 $0x4  }
.LBB2_1:
0x10: {  	[spmem:s11], [sflag:s6] =	dma.local [hbm:s5], $0x1400  }
0x11: {  	_ =	swait.ge [sflag:s12], $0x1400  }
0x12: {  	[sflag:s12] =	ssyncset.done $0x0  }
0x13: {  	[sflag:s12] =	ssyncadd.s32 $0xFFFFEC00  }
0x14: {  	[tilespmem:s3], [sflag:$0x4] =	stream.linear.gather [hbm4b:s7+s3], $0x2780, $0x38;
	[tilespmem:$0x12F00] =	vst v63  }
0x15: {  	_ =	swait.ge [sflag:s12], $0x2780  }
0x16: {  	[sflag:s12] =	ssyncset.done $0x0  }
0x17: {  	[sflag:s12] =	ssyncadd.s32 $0xFFFFD880  }
0x18: {  	[tilespmem:s13], [sflag:$0x4] =	stream.linear.gather [hbm4b:s8+s3], $0x2780, $0x38;
	[tilespmem:$0x12F00] =	vst v63  }
0x19: {  	_ =	swait.ge [sflag:s12], $0x2780  }
0x1a: {  	[sflag:s12] =	ssyncset.done $0x0  }
0x1b: {  	[sflag:s12] =	ssyncadd.s32 $0xFFFFD880  }
0x1c: {  	[bflag:$0x0] =	sbarrier.arrive $0xFFFF  }
0x1d: {  	[tilespmem:s15], [sflag:$0x1] =	stream.indirect.gather [hbm4b:s4+s14], $0x40, s3, s14, $0xb8;
	[tilespmem:$0x12F00] =	vst v63  }
0x1e: {  	_ =	swait.ge [sflag:s16], $0x2000  }
0x1f: {  	[sflag:s16] =	ssyncset.done $0x0  }
0x20: {  	[sflag:s16] =	ssyncadd.s32 $0xFFFFE000  }
0x21: {  	[spmem:s2] =	stream.indirect.scatter.add.f32 [tilespmem:s15], [sflag:$0x2], $0x40, s13, s14, $0xb8;
	[tilespmem:$0x12F00] =	vst v63  }
0x22: {  	_ = 	snop  }
0x23: {  	[tilespmem:s17], [sflag:$0x1] =	stream.indirect.gather [hbm4b:s4+s14], $0x40, s14, s14, $0xb8;
	[tilespmem:$0x12F00] =	vst v63  }
0x24: {  	_ =	swait.ge [sflag:s16], $0x2000  }
0x25: {  	[sflag:s16] =	ssyncset.done $0x0  }
0x26: {  	[sflag:s16] =	ssyncadd.s32 $0xFFFFE000  }
0x27: {  	_ =	swait.ge [sflag:s18], $0x2000  }
0x28: {  	[sflag:s18] =	ssyncset.done $0x0  }
0x29: {  	[sflag:s18] =	ssyncadd.s32 $0xFFFFE000  }
0x2a: {  	[spmem:s2] =	stream.indirect.scatter.add.f32 [tilespmem:s17], [sflag:$0x3], $0x40, s19, s14, $0xb8;
	[tilespmem:$0x12F00] =	vst v63  }
0x2b: {  	s24 =	simm.s32 $0x100  }
0x2c: {  	[tilespmem:s15], [sflag:$0x1] =	stream.indirect.gather [hbm4b:s4+s14], $0x40, s24, s14, $0xb8;
	[tilespmem:$0x12F00] =	vst v63  }
0x2d: {  	_ =	swait.ge [sflag:s16], $0x2000  }
0x2e: {  	[sflag:s16] =	ssyncset.done $0x0  }
0x2f: {  	[sflag:s16] =	ssyncadd.s32 $0xFFFFE000  }
0x30: {  	_ =	swait.ge [sflag:s20], $0x2000  }
0x31: {  	[sflag:s20] =	ssyncset.done $0x0  }
0x32: {  	s30 =	simm.s32 $0x2880;
	[sflag:s20] =	ssyncadd.s32 $0xFFFFE000  }
0x33: {  	[spmem:s2] =	stream.indirect.scatter.add.f32 [tilespmem:s15], [sflag:$0x2], $0x40, s30, s14, $0xb8;
	[tilespmem:$0x12F00] =	vst v63  }
0x34: {  	s31 =	simm.s32 $0x180  }
0x35: {  	[tilespmem:s17], [sflag:$0x1] =	stream.indirect.gather [hbm4b:s4+s14], $0x40, s31, s14, $0xb8;
	[tilespmem:$0x12F00] =	vst v63  }
0x36: {  	_ =	swait.ge [sflag:s16], $0x2000  }
0x37: {  	[sflag:s16] =	ssyncset.done $0x0  }
0x38: {  	[sflag:s16] =	ssyncadd.s32 $0xFFFFE000  }
0x39: {  	_ =	swait.ge [sflag:s18], $0x2000  }
0x3a: {  	s25 =	simm.s32 $0xFFFF7000;
	[sflag:s18] =	ssyncset.done $0x0  }
0x3b: {  	s26 =	simm.s32 $0x2900;
	s24 =	simm.s32 $0xFFFFDB00;
	[sflag:s18] =	ssyncadd.s32 $0xFFFFE000  }
.LBB2_2:
0x3c: {  	[spmem:s2] =	stream.indirect.scatter.add.f32 [tilespmem:s17], [sflag:$0x3], $0x40, s26, s14, $0xb8;
	[tilespmem:$0x12F00] =	vst v63  }
0x3d: {  	s26 =	smov.u32 s25  }
0x3e: {  	s29 =	sadd.s32 $0x400, s25;
	s28 =	sshra.s32 s26, $0x2;
	s26 =	sadd.s32 $0x2700, s24  }
0x3f: {  	[tilespmem:s15], [sflag:$0x1] =	stream.indirect.gather [hbm4b:s4+s14], $0x40, s26, s14, $0xb8;
	[tilespmem:$0x12F00] =	vst v63  }
0x40: {  	p0 =	sne.s32 s25, $0xFFFFFC00;
	_ =	swait.ge [sflag:s16], $0x2000  }
0x41: {  	[sflag:s16] =	ssyncset.done $0x0  }
0x42: {  	[sflag:s16] =	ssyncadd.s32 $0xFFFFE000  }
0x43: {  	_ =	swait.ge [sflag:s20], $0x2000  }
0x44: {  	[sflag:s20] =	ssyncset.done $0x0  }
0x45: {  	s25 =	sadd.s32 $0x4E80, s24;
	[sflag:s20] =	ssyncadd.s32 $0xFFFFE000  }
0x46: {  	[spmem:s2] =	stream.indirect.scatter.add.f32 [tilespmem:s15], [sflag:$0x2], $0x40, s25, s14, $0xb8;
	[tilespmem:$0x12F00] =	vst v63  }
0x47: {  	s25 =	sadd.s32 $0x2780, s24  }
0x48: {  	[tilespmem:s17], [sflag:$0x1] =	stream.indirect.gather [hbm4b:s4+s14], $0x40, s25, s14, $0xb8;
	[tilespmem:$0x12F00] =	vst v63  }
0x49: {  	_ =	swait.ge [sflag:s16], $0x2000  }
.Ltmp0:
0x4a: {  	[sflag:s16] =	ssyncset.done $0x0;
	(pc) =	sbr.rel @p0 .LBB2_2-.Ltmp0, $4  }
0x4b: {  	[sflag:s16] =	ssyncadd.s32 $0xFFFFE000  }
0x4c: {  	_ =	swait.ge [sflag:s18], $0x2000  }
0x4d: {  	s26 =	sadd.s32 $0x4F00, s24;
	[sflag:s18] =	ssyncset.done $0x0  }
0x4e: {  	s24 =	smov.u32 s28;
	s25 =	smov.u32 s29;
	[sflag:s18] =	ssyncadd.s32 $0xFFFFE000  }
0x4f: {  	[spmem:s2] =	stream.indirect.scatter.add.f32 [tilespmem:s17], [sflag:$0x3], $0x40, s26, s14, $0xb8;
	[tilespmem:$0x12F00] =	vst v63  }
0x50: {  	s25 =	sadd.s32 $0x2700, s24  }
0x51: {  	[tilespmem:s15], [sflag:$0x1] =	stream.indirect.gather [hbm4b:s4+s14], $0x40, s25, s14, $0xb8;
	[tilespmem:$0x12F00] =	vst v63  }
0x52: {  	_ =	swait.ge [sflag:s16], $0x2000  }
0x53: {  	[sflag:s16] =	ssyncset.done $0x0  }
0x54: {  	[sflag:s16] =	ssyncadd.s32 $0xFFFFE000  }
0x55: {  	_ =	swait.ge [sflag:s20], $0x2000  }
0x56: {  	[sflag:s20] =	ssyncset.done $0x0  }
0x57: {  	s29 =	sadd.s32 $0x4E80, s24;
	[sflag:s20] =	ssyncadd.s32 $0xFFFFE000  }
0x58: {  	[spmem:s2] =	stream.indirect.scatter.add.f32 [tilespmem:s15], [sflag:$0x2], $0x40, s29, s14, $0xb8;
	[tilespmem:$0x12F00] =	vst v63  }
0x59: {  	s30 =	sadd.s32 $0x2780, s24  }
0x5a: {  	[tilespmem:s17], [sflag:$0x1] =	stream.indirect.gather [hbm4b:s4+s14], $0x40, s30, s14, $0xb8;
	[tilespmem:$0x12F00] =	vst v63  }
0x5b: {  	_ =	swait.ge [sflag:s16], $0x2000  }
0x5c: {  	[sflag:s16] =	ssyncset.done $0x0  }
0x5d: {  	[sflag:s16] =	ssyncadd.s32 $0xFFFFE000  }
0x5e: {  	_ =	swait.ge [sflag:s18], $0x2000  }
0x5f: {  	[sflag:s18] =	ssyncset.done $0x0  }
0x60: {  	s31 =	sadd.s32 $0x4F00, s24;
	[sflag:s18] =	ssyncadd.s32 $0xFFFFE000  }
0x61: {  	[spmem:s2] =	stream.indirect.scatter.add.f32 [tilespmem:s17], [sflag:$0x3], $0x40, s31, s14, $0xb8;
	[tilespmem:$0x12F00] =	vst v63  }
0x62: {  	_ = 	snop  }
0x63: {  	[tilespmem:s15], [sflag:$0x1] =	stream.indirect.gather [hbm4b:s4+s14], $0x40, s21, s14, $0xb8;
	[tilespmem:$0x12F00] =	vst v63  }
0x64: {  	_ =	swait.ge [sflag:s16], $0x2000  }
0x65: {  	[sflag:s16] =	ssyncset.done $0x0  }
0x66: {  	[sflag:s16] =	ssyncadd.s32 $0xFFFFE000  }
0x67: {  	_ =	swait.ge [sflag:s20], $0x2000  }
0x68: {  	[sflag:s20] =	ssyncset.done $0x0  }
0x69: {  	[sflag:s20] =	ssyncadd.s32 $0xFFFFE000  }
0x6a: {  	[spmem:s2] =	stream.indirect.scatter.add.f32 [tilespmem:s15], [sflag:$0x2], $0x40, s22, s14, $0xb8;
	[tilespmem:$0x12F00] =	vst v63  }
0x6b: {  	_ =	swait.ge [sflag:s18], $0x2000  }
0x6c: {  	s23 =	sadd.s32 $0x1, s23;
	[sflag:s18] =	ssyncset.done $0x0  }
0x6d: {  	p0 =	sne.s32 s23, s10;
	[sflag:s18] =	ssyncadd.s32 $0xFFFFE000  }
.Ltmp1:
0x6e: {  	[bflag:$0x0] =	sbarrier.arrive $0xFFFF;
	(pc) =	sbr.rel @p0 .LBB2_1-.Ltmp1, $4  }
0x6f: {  	[hbm:s9], [sflag:s6] =	dma.local [spmem:s11], $0x1400  }
0x70: {  	_ =	swait.ge [sflag:s12], $0x1400  }
0x71: {  	[sflag:s12] =	ssyncset.done $0x0  }
0x72: {  	[sflag:s12] =	ssyncadd.s32 $0xFFFFEC00  }
0x73: {  	_ =	sfence.sel $0x180000  }
0x74: {  	[bflag:$0x0] =	sbarrier.arrive $0xFFFF  }
0x75: {  	p0 =	sne.s32 s1, $0x0;
	_ =	strace $0x9000004A  }
0x76: {  	s0 =	sadd.s32 @!p0 $0x100000, s0;
	[bflag:$0x2] =	sbarrier.arrive $0xFFFF  }
0x77: {  	[sflag:s0] =	ssyncadd.tile.s32 @!p0 $0x1;
	_ =	shalt  }
.Lfunc_end2:
_tile_overlayer_lowered:
.L_overlay_start_2:
0x78: {  	(tag) =	ssettag $0x2  }
0x79: {  	s0 =	rddreg [dreg:$0x0];
	s2 =	stileid.u32  }
0x7a: {  	s1 =	rddreg [dreg:$0x1];
	p0 =	sne.s32 s2, $0x0  }
0x7b: {  	s3 =	rddreg [dreg:$0x2];
	[bflag:$0x3] =	sbarrier.arrive $0xFFFF;
	s2 =	simm.s32 @!p0 $0x1C04  }
0x7c: {  	[timem:s3], [sflag:s2] =	dma.local @!p0 [hbm:s0], s1  }
0x7d: {  	s0 =	simm.s32 @!p0 $0x4  }
0x7e: {  	_ =	swait.ge @!p0 [sflag:s0], s1  }
0x7f: {  	s1 =	ssub.s32 @!p0 $0x0, s1;
	[sflag:s0] =	ssyncset.done @!p0 $0x0  }
0x80: {  	[sflag:s0] =	ssyncadd.s32 @!p0 s1  }
0x81: {  	[bflag:$0x3] =	sbarrier.arrive $0xFFFF  }
0x82: {  	_ =	shalt  }

// kernel: kernel.14.cloned.1.call-start
scs
__scs_entry_jumppad:
0x0: {  	(pc) =	sbr.rel $0x88, $3  }
0x1: {  	(tag) =	ssettag $0x0;
	lr =	simm.s32 $0x1  }
0x2: {  	[smem:$0x3F97] =	sst lr;
	_ =	strace $0xD0000000  }
0x3: {  	_ = 	snop  }
0x4: {  	_ = 	snop  }
0x5: {  	_ = 	snop  }
0x6: {  	_ = 	snop  }
0x7: {  	_ = 	snop  }
__scs_overlays_trampoline_lowered:
0x8: {  	[smem:$0x3FA6] =	sst s0  }
0x9: {  	[smem:$0x3FA7] =	sst s1  }
0xa: {  	[smem:$0x3FA8] =	sst s2  }
0xb: {  	[smem:$0x3FA9] =	sst s3  }
0xc: {  	[smem:$0x3FAA] =	sst s4  }
0xd: {  	[smem:$0x3FAB] =	sst s5  }
0xe: {  	[smem:$0x3FAC] =	sst s6  }
0xf: {  	[smem:$0x3FAD] =	sst s7  }
0x10: {  	[smem:$0x3FAE] =	sst s8  }
0x11: {  	[smem:$0x3FAF] =	sst s9;
	s0 =	simm.s32 @!p0 $0x0  }
0x12: {  	s1 =	sld [smem:$0x3F95];
	s0 =	simm.s32 @p0 $0x1  }
0x13: {  	[smem:$0x3FB0] =	sst s0;
	s0 =	simm.s32 @!p1 $0x0  }
0x14: {  	s2 =	sld [smem:$0x3F94];
	s0 =	simm.s32 @p1 $0x1  }
0x15: {  	[smem:$0x3FB1] =	sst s0;
	s0 =	simm.s32 @!p2 $0x0  }
0x16: {  	s3 =	sld [smem:$0x3FDB];
	s0 =	simm.s32 @p2 $0x1  }
0x17: {  	s4 =	simm.s32 $0x1BF5;
	[smem:$0x3FB3] =	sst s0  }
0x18: {  	s0 =	sld [smem:$0x3F96];
	_ =	swait.ge [sflag:s4], $0x0  }
0x19: {  	s7 =	sld [smem:$0x3F97]  }
0x1a: {  	s8 =	sadd.s32 $0xFFFFE003, lr  }
0x1b: {  	s9 =	sadd.s32 $0xFFFFFEF7, lr;
	s5 =	simm.s32 $0xFFFFFFFF;
	p2 =	slt.u32 s8, $0xFFFFF086  }
0x1c: {  	p1 =	slt.u32 s9, $0xF7A;
	s5 =	simm.s32 @!p2 $0x0  }
0x1d: {  	s5 =	simm.s32 @p1 $0x1;
	p0 =	seq.s32 s7, s2  }
0x1e: {  	s7 =	smul.u32 @!p0 $0xF7A, s2;
	p2 =	seq.s32 @!p0 s5, $0x0  }
0x1f: {  	s9 =	smul.u32 $0xF7A, s1;
	s8 =	simm.s32 @!p0 $0x1BF5;
	p2 =	por !p2, p0  }
0x20: {  	[sflag:s8] =	ssyncset.s32 @!p0 $0xFFFFF086;
	s6 =	sadd.s32 @!p0 s3, s7;
	s7 =	simm.s32 @!p0 $0x108  }
0x21: {  	s3 =	sadd.s32 s3, s9;
	s6 =	sadd.s32 @!p0 $0x88, s6;
	s7 =	simm.s32 @p2 $0x1082  }
0x22: {  	[simem:s7], [sflag:s8] =	dma.local @!p0 [hbm:s6], $0xF7A  }
0x23: {  	s9 =	sor.u32 $0xD0000000, s2;
	s6 =	simm.s32 $0x108;
	_ =	swait.ge @!p0 [sflag:s8], $0x0  }
0x24: {  	s3 =	sadd.s32 $0x88, s3;
	s6 =	simm.s32 @!p1 $0x1082;
	[sflag:s4] =	ssyncset.s32 $0xFFFFF086  }
0x25: {  	[simem:s6], [sflag:s4] =	dma.local [hbm:s3], $0xF7A  }
0x26: {  	[smem:$0x3F97] =	sst s1;
	(tag) =	ssettag s2;
	_ =	strace s9  }
0x27: {  	s1 =	sld [smem:$0x3FA7]  }
0x28: {  	s2 =	sld [smem:$0x3FA8]  }
0x29: {  	s4 =	sld [smem:$0x3FAA]  }
0x2a: {  	p0 =	seq.s32 s5, $0x0;
	s5 =	sld [smem:$0x3FAB]  }
0x2b: {  	s6 =	sld [smem:$0x3FAC]  }
0x2c: {  	s7 =	sld [smem:$0x3FAD]  }
0x2d: {  	s3 =	simm.s32 $0x108;
	s8 =	sld [smem:$0x3FAE]  }
0x2e: {  	s3 =	simm.s32 @!p0 $0x1082;
	s9 =	sld [smem:$0x3FAF]  }
0x2f: {  	lr =	sadd.s32 s0, s3;
	s0 =	sld [smem:$0x3FA6]  }
0x30: {  	s3 =	sld [smem:$0x3FA9]  }
0x31: {  	[smem:$0x3FB2] =	sst s10  }
0x32: {  	s10 =	sld [smem:$0x3FB0];
	_ =	sdelay $0x3  }
0x33: {  	p0 =	seq.s32 s10, $0x1;
	s10 =	sld [smem:$0x3FB2];
	_ =	sdelay $0x3  }
0x34: {  	[smem:$0x3FB2] =	sst s10  }
0x35: {  	s10 =	sld [smem:$0x3FB1];
	_ =	sdelay $0x3  }
0x36: {  	p1 =	seq.s32 s10, $0x1;
	s10 =	sld [smem:$0x3FB2];
	_ =	sdelay $0x3  }
0x37: {  	[smem:$0x3FB2] =	sst s10  }
0x38: {  	s10 =	sld [smem:$0x3FB3]  }
0x39: {  	_ = 	snop;
	(pc) =	sbr.ind lr, $3  }
0x3a: {  	_ = 	snop  }
0x3b: {  	_ = 	snop  }
0x3c: {  	p2 =	seq.s32 s10, $0x1;
	s10 =	sld [smem:$0x3FB2]  }
0x3d: {  	_ =	shalt  }
0x3e: {  	_ =	shalt  }
0x3f: {  	_ =	shalt  }
0x40: {  	_ =	shalt  }
0x41: {  	_ =	shalt  }
0x42: {  	_ =	shalt  }
0x43: {  	_ =	shalt  }
0x44: {  	_ =	shalt  }
0x45: {  	_ =	shalt  }
0x46: {  	_ =	shalt  }
0x47: {  	_ =	shalt  }
0x48: {  	_ =	shalt  }
0x49: {  	_ =	shalt  }
0x4a: {  	_ =	shalt  }
0x4b: {  	_ =	shalt  }
0x4c: {  	_ =	shalt  }
0x4d: {  	_ =	shalt  }
0x4e: {  	_ =	shalt  }
0x4f: {  	_ =	shalt  }
0x50: {  	_ =	shalt  }
0x51: {  	_ =	shalt  }
0x52: {  	_ =	shalt  }
0x53: {  	_ =	shalt  }
0x54: {  	_ =	shalt  }
0x55: {  	_ =	shalt  }
0x56: {  	_ =	shalt  }
0x57: {  	_ =	shalt  }
0x58: {  	_ =	shalt  }
0x59: {  	_ =	shalt  }
0x5a: {  	_ =	shalt  }
0x5b: {  	_ =	shalt  }
0x5c: {  	_ =	shalt  }
0x5d: {  	_ =	shalt  }
0x5e: {  	_ =	shalt  }
0x5f: {  	_ =	shalt  }
0x60: {  	_ =	shalt  }
0x61: {  	_ =	shalt  }
0x62: {  	_ =	shalt  }
0x63: {  	_ =	shalt  }
0x64: {  	_ =	shalt  }
0x65: {  	_ =	shalt  }
0x66: {  	_ =	shalt  }
0x67: {  	_ =	shalt  }
0x68: {  	_ =	shalt  }
0x69: {  	_ =	shalt  }
0x6a: {  	_ =	shalt  }
0x6b: {  	_ =	shalt  }
0x6c: {  	_ =	shalt  }
0x6d: {  	_ =	shalt  }
0x6e: {  	_ =	shalt  }
0x6f: {  	_ =	shalt  }
0x70: {  	_ =	shalt  }
0x71: {  	_ =	shalt  }
0x72: {  	_ =	shalt  }
0x73: {  	_ =	shalt  }
0x74: {  	_ =	shalt  }
0x75: {  	_ =	shalt  }
0x76: {  	_ =	shalt  }
0x77: {  	_ =	shalt  }
0x78: {  	_ =	shalt  }
0x79: {  	_ =	shalt  }
0x7a: {  	_ =	shalt  }
0x7b: {  	_ =	shalt  }
0x7c: {  	_ =	shalt  }
0x7d: {  	_ =	shalt  }
0x7e: {  	_ =	shalt  }
0x7f: {  	_ =	shalt  }
0x80: {  	_ =	shalt  }
0x81: {  	_ =	shalt  }
0x82: {  	_ =	shalt  }
0x83: {  	_ =	shalt  }
0x84: {  	_ =	shalt  }
0x85: {  	_ =	shalt  }
0x86: {  	_ =	shalt  }
0x87: {  	_ =	shalt  }
.Lfunc_end0:
.L_simem_size_0:
called_computation.2_lowered:
.L_overlay_start_0:
0x88: {  	s2 =	sld [smem:$0x3FD9]  }
0x89: {  	s3 =	sld [smem:$0x3FFE];
	_ =	sdelay $0x1  }
0x8a: {  	s1 =	srdreg.scid  }
0x8b: {  	s0 =	sand.u32 $0x1, s1  }
0x8c: {  	s16 =	sshll.u32 s0, $0xA;
	s2 =	sadd.s32 s3, s2  }
0x8d: {  	s2 =	sadd.s32 s2, s16  }
0x8e: {  	[smem:$0x3FBE] =	sst s2  }
0x8f: {  	_ = 	snop  }
0x90: {  	(tm) =	ssettm $0x1  }
0x91: {  	s17 =	sld [smem:$0x3FFB];
	_ =	sdelay $0x3  }
0x92: {  	_ =	strace s17  }
0x93: {  	s2 =	sld [smem:$0x3FFC];
	_ =	sdelay $0x3  }
0x94: {  	_ =	strace s2  }
0x95: {  	s2 =	sld [smem:$0x3FFD];
	_ =	sdelay $0x3  }
0x96: {  	_ =	strace s2  }
0x97: {  	_ =	strace $0x8FFFFFFF  }
0x98: {  	s18 =	sld [smem:$0x3FDB];
	_ =	sdelay $0x1  }
0x99: {  	s19 =	simm.s32 $_scs_section_size  }
0x9a: {  	s4 =	simm.s32 $_size__tile_overlayer_lowered;
	s5 =	simm.s32 $_tile_overlayer_lowered  }
0x9b: {  	s22 =	simm.s32 $0x1BFF;
	s21 =	sshll.u32 s5, $0x1;
	s2 =	sadd.s32 s19, s18  }
0x9c: {  	s6 =	simm.s32 $0x0;
	s20 =	sshll.u32 s4, $0x1;
	s4 =	sadd.s32 s21, s2  }
0x9d: {  	[timem:s6], [sflag:s22] =	dma.local [hbm:s4], s20  }
0x9e: {  	_ =	swait.ge [sflag:s22], s20  }
0x9f: {  	s3 =	ssub.s32 $0x0, s20;
	[sflag:s22] =	ssyncset.done $0x0  }
0xa0: {  	[sflag:s22] =	ssyncadd.s32 s3;
	_ =	sdelay $0x1  }
0xa1: {  	s23 =	simm.s32 $0x1B8B  }
0xa2: {  	_ =	swait.ge [sflag:s23], $0x1  }
0xa3: {  	[sflag:s23] =	ssyncset.done $0x0  }
0xa4: {  	s25 =	simm.s32 $0x1B8E;
	s24 =	sld [smem:$0x3FFE];
	[sflag:s23] =	ssyncadd.s32 $0xFFFFFFFF  }
0xa5: {  	s26 =	simm.s32 $execute0_lowered;
	[smem:$0x3FD2] =	sst s25  }
0xa6: {  	s4 =	sshll.u32 s26, $0x1;
	_ =	strace $0x8000004C;
	[dreg:$0x1] =	wrdreg $0xFFFFFFFF  }
0xa7: {  	s28 =	simm.s32 $_size_execute0_lowered;
	s2 =	sadd.s32 s2, s4;
	[dreg:$0x0] =	wrdreg $0x0  }
0xa8: {  	s4 =	sshll.u32 s28, $0x1;
	[dreg:$0x2] =	wrdreg s2  }
0xa9: {  	[dreg:$0x3] =	wrdreg s4  }
0xaa: {  	[dreg:$0x4] =	wrdreg $0xC0  }
0xab: {  	_ =	task [dreg:s6], $0x5FFFF  }
0xac: {  	[dreg:$0x1] =	wrdreg $0xFFFFFFFF  }
0xad: {  	[dreg:$0x0] =	wrdreg $0x60  }
0xae: {  	[dreg:$0x2] =	wrdreg s24  }
0xaf: {  	[dreg:$0x3] =	wrdreg $0x8F000  }
0xb0: {  	[dreg:$0x4] =	wrdreg $0x9  }
0xb1: {  	_ =	task.clear_ibuf [dreg:s6], $0x5FFFF;
	_ =	strace $0x9000004C  }
0xb2: {  	s29 =	simm.s32 $0x9;
	_ =	strace $0x8000004E  }
0xb3: {  	_ =	swait.ge [sflag:s29], $0x1  }
0xb4: {  	[sflag:s29] =	ssyncadd.s32 $0xFFFFFFFF  }
0xb5: {  	_ =	strace $0x9000004E  }
0xb6: {  	_ =	sfence  }
0xb7: {  	s30 =	sld [smem:$0x0];
	_ =	sdelay $0x2  }
0xb8: {  	s31 =	sshll.u32 s1, $0xD;
	s1 =	sshrl.u32 s1, $0x2  }
0xb9: {  	s3 =	sand.u32 $0x4000, s31;
	s1 =	sadd.s32 s1, s30  }
0xba: {  	s0 =	sor.u32 s3, s0;
	s1 =	sshll.u32 s1, $0x11  }
0xbb: {  	s0 =	sor.u32 s1, s0  }
0xbc: {  	s0 =	sadd.s32 $0x8F2B, s0  }
0xbd: {  	[sflag:s0] =	ssyncadd.remote.s32 $0x1  }
0xbe: {  	_ =	sfence.sel $0xFFFF  }
0xbf: {  	[dreg:$0x0] =	wrdreg $0xFFFFFFFF;
	(pc) =	sbr.abs _section_cstart, $3  }
0xc0: {  	[dreg:$0x1] =	wrdreg $0xFFFFFFFF  }
0xc1: {  	_ =	task.clear_ibuf [dreg:s6], $0x2FFFF;
	_ =	strace $0x9FFFFFFF  }
0xc2: {  	(tm) =	ssettm $0x7FFFFFFF  }
0xc3: {  	_ =	shalt  }
tec
execute0_lowered:
.L_overlay_start_1:
0x0: {  	(tag) =	ssettag $0x1  }
0x1: {  	s6 =	rddreg [dreg:$0x0];
	s0 =	srdreg.scid  }
0x2: {  	s2 =	rddreg [dreg:$0x1];
	s1 =	stileid.u32  }
0x3: {  	s3 =	simm.s32 $0x0;
	s13 =	simm.s32 $0x2780;
	s14 =	simm.s32 $0x80  }
0x4: {  	s15 =	simm.s32 $0x4F00;
	s16 =	simm.s32 $0x1;
	s17 =	simm.s32 $0x6F00  }
0x5: {  	s18 =	simm.s32 $0x2;
	s19 =	simm.s32 $0x2800;
	s20 =	simm.s32 $0x3  }
0x6: {  	s21 =	simm.s32 $0x2700;
	s22 =	simm.s32 $0x4E80;
	s23 =	simm.s32 $0x0  }
0x7: {  	s5 =	sand.u32 $0x1, s0;
	s0 =	rddreg [dreg:$0x2];
	s7 =	smul.u32 $0xA000, s1  }
0x8: {  	[smem:$0x7FF] =	sst s3;
	s31 =	sshll.u32 s1, $0x6;
	s4 =	sshll.u32 s5, $0x4  }
0x9: {  	s8 =	smul.u32 $0xA0000, s5;
	_ =	strace $0x8000004D;
	s10 =	ssub.s32 $0x2, s5  }
0xa: {  	s5 =	sadd.s32 $0xB800, s6;
	s4 =	sor.u32 s1, s4;
	s30 =	sshrl.u32 s10, $0x1  }
0xb: {  	s12 =	sadd.s32 s7, s2;
	s9 =	smul.u32 $0x4F0, s4;
	s8 =	sadd.s32 s7, s8  }
0xc: {  	s4 =	sadd.s32 $0x1FE00, s6;
	s10 =	ssub.s32 s10, s30;
	s8 =	sshrl.u32 s8, $0x3  }
0xd: {  	s10 =	smax.u32 s10, $0x1;
	s9 =	sadd.s32 s9, s6;
	s11 =	sadd.s32 s8, s6  }
0xe: {  	s6 =	sor.u32 $0x1C04, s31;
	s7 =	sadd.s32 $0x16000, s9;
	s8 =	sadd.s32 $0x1A00, s9  }
0xf: {  	s9 =	sadd.s32 $0x33800, s11;
	s11 =	sshrl.u32 s12, $0x3;
	s12 =	simm.s32 $0x4  }
.LBB2_1:
0x10: {  	[spmem:s11], [sflag:s6] =	dma.local [hbm:s5], $0x1400  }
0x11: {  	_ =	swait.ge [sflag:s12], $0x1400  }
0x12: {  	[sflag:s12] =	ssyncset.done $0x0  }
0x13: {  	[sflag:s12] =	ssyncadd.s32 $0xFFFFEC00  }
0x14: {  	[tilespmem:s3], [sflag:$0x4] =	stream.linear.gather [hbm4b:s7+s3], $0x2780, $0x38;
	[tilespmem:$0x12F00] =	vst v63  }
0x15: {  	_ =	swait.ge [sflag:s12], $0x2780  }
0x16: {  	[sflag:s12] =	ssyncset.done $0x0  }
0x17: {  	[sflag:s12] =	ssyncadd.s32 $0xFFFFD880  }
0x18: {  	[tilespmem:s13], [sflag:$0x4] =	stream.linear.gather [hbm4b:s8+s3], $0x2780, $0x38;
	[tilespmem:$0x12F00] =	vst v63  }
0x19: {  	_ =	swait.ge [sflag:s12], $0x2780  }
0x1a: {  	[sflag:s12] =	ssyncset.done $0x0  }
0x1b: {  	[sflag:s12] =	ssyncadd.s32 $0xFFFFD880  }
0x1c: {  	[bflag:$0x0] =	sbarrier.arrive $0xFFFF  }
0x1d: {  	[tilespmem:s15], [sflag:$0x1] =	stream.indirect.gather [hbm4b:s4+s14], $0x40, s3, s14, $0xb8;
	[tilespmem:$0x12F00] =	vst v63  }
0x1e: {  	_ =	swait.ge [sflag:s16], $0x2000  }
0x1f: {  	[sflag:s16] =	ssyncset.done $0x0  }
0x20: {  	[sflag:s16] =	ssyncadd.s32 $0xFFFFE000  }
0x21: {  	[spmem:s2] =	stream.indirect.scatter.add.f32 [tilespmem:s15], [sflag:$0x2], $0x40, s13, s14, $0xb8;
	[tilespmem:$0x12F00] =	vst v63  }
0x22: {  	_ = 	snop  }
0x23: {  	[tilespmem:s17], [sflag:$0x1] =	stream.indirect.gather [hbm4b:s4+s14], $0x40, s14, s14, $0xb8;
	[tilespmem:$0x12F00] =	vst v63  }
0x24: {  	_ =	swait.ge [sflag:s16], $0x2000  }
0x25: {  	[sflag:s16] =	ssyncset.done $0x0  }
0x26: {  	[sflag:s16] =	ssyncadd.s32 $0xFFFFE000  }
0x27: {  	_ =	swait.ge [sflag:s18], $0x2000  }
0x28: {  	[sflag:s18] =	ssyncset.done $0x0  }
0x29: {  	[sflag:s18] =	ssyncadd.s32 $0xFFFFE000  }
0x2a: {  	[spmem:s2] =	stream.indirect.scatter.add.f32 [tilespmem:s17], [sflag:$0x3], $0x40, s19, s14, $0xb8;
	[tilespmem:$0x12F00] =	vst v63  }
0x2b: {  	s24 =	simm.s32 $0x100  }
0x2c: {  	[tilespmem:s15], [sflag:$0x1] =	stream.indirect.gather [hbm4b:s4+s14], $0x40, s24, s14, $0xb8;
	[tilespmem:$0x12F00] =	vst v63  }
0x2d: {  	_ =	swait.ge [sflag:s16], $0x2000  }
0x2e: {  	[sflag:s16] =	ssyncset.done $0x0  }
0x2f: {  	[sflag:s16] =	ssyncadd.s32 $0xFFFFE000  }
0x30: {  	_ =	swait.ge [sflag:s20], $0x2000  }
0x31: {  	[sflag:s20] =	ssyncset.done $0x0  }
0x32: {  	s30 =	simm.s32 $0x2880;
	[sflag:s20] =	ssyncadd.s32 $0xFFFFE000  }
0x33: {  	[spmem:s2] =	stream.indirect.scatter.add.f32 [tilespmem:s15], [sflag:$0x2], $0x40, s30, s14, $0xb8;
	[tilespmem:$0x12F00] =	vst v63  }
0x34: {  	s31 =	simm.s32 $0x180  }
0x35: {  	[tilespmem:s17], [sflag:$0x1] =	stream.indirect.gather [hbm4b:s4+s14], $0x40, s31, s14, $0xb8;
	[tilespmem:$0x12F00] =	vst v63  }
0x36: {  	_ =	swait.ge [sflag:s16], $0x2000  }
0x37: {  	[sflag:s16] =	ssyncset.done $0x0  }
0x38: {  	[sflag:s16] =	ssyncadd.s32 $0xFFFFE000  }
0x39: {  	_ =	swait.ge [sflag:s18], $0x2000  }
0x3a: {  	s25 =	simm.s32 $0xFFFF7000;
	[sflag:s18] =	ssyncset.done $0x0  }
0x3b: {  	s26 =	simm.s32 $0x2900;
	s24 =	simm.s32 $0xFFFFDB00;
	[sflag:s18] =	ssyncadd.s32 $0xFFFFE000  }
.LBB2_2:
0x3c: {  	[spmem:s2] =	stream.indirect.scatter.add.f32 [tilespmem:s17], [sflag:$0x3], $0x40, s26, s14, $0xb8;
	[tilespmem:$0x12F00] =	vst v63  }
0x3d: {  	s26 =	smov.u32 s25  }
0x3e: {  	s29 =	sadd.s32 $0x400, s25;
	s28 =	sshra.s32 s26, $0x2;
	s26 =	sadd.s32 $0x2700, s24  }
0x3f: {  	[tilespmem:s15], [sflag:$0x1] =	stream.indirect.gather [hbm4b:s4+s14], $0x40, s26, s14, $0xb8;
	[tilespmem:$0x12F00] =	vst v63  }
0x40: {  	p0 =	sne.s32 s25, $0xFFFFFC00;
	_ =	swait.ge [sflag:s16], $0x2000  }
0x41: {  	[sflag:s16] =	ssyncset.done $0x0  }
0x42: {  	[sflag:s16] =	ssyncadd.s32 $0xFFFFE000  }
0x43: {  	_ =	swait.ge [sflag:s20], $0x2000  }
0x44: {  	[sflag:s20] =	ssyncset.done $0x0  }
0x45: {  	s25 =	sadd.s32 $0x4E80, s24;
	[sflag:s20] =	ssyncadd.s32 $0xFFFFE000  }
0x46: {  	[spmem:s2] =	stream.indirect.scatter.add.f32 [tilespmem:s15], [sflag:$0x2], $0x40, s25, s14, $0xb8;
	[tilespmem:$0x12F00] =	vst v63  }
0x47: {  	s25 =	sadd.s32 $0x2780, s24  }
0x48: {  	[tilespmem:s17], [sflag:$0x1] =	stream.indirect.gather [hbm4b:s4+s14], $0x40, s25, s14, $0xb8;
	[tilespmem:$0x12F00] =	vst v63  }
0x49: {  	_ =	swait.ge [sflag:s16], $0x2000  }
.Ltmp0:
0x4a: {  	[sflag:s16] =	ssyncset.done $0x0;
	(pc) =	sbr.rel @p0 .LBB2_2-.Ltmp0, $4  }
0x4b: {  	[sflag:s16] =	ssyncadd.s32 $0xFFFFE000  }
0x4c: {  	_ =	swait.ge [sflag:s18], $0x2000  }
0x4d: {  	s26 =	sadd.s32 $0x4F00, s24;
	[sflag:s18] =	ssyncset.done $0x0  }
0x4e: {  	s24 =	smov.u32 s28;
	s25 =	smov.u32 s29;
	[sflag:s18] =	ssyncadd.s32 $0xFFFFE000  }
0x4f: {  	[spmem:s2] =	stream.indirect.scatter.add.f32 [tilespmem:s17], [sflag:$0x3], $0x40, s26, s14, $0xb8;
	[tilespmem:$0x12F00] =	vst v63  }
0x50: {  	s25 =	sadd.s32 $0x2700, s24  }
0x51: {  	[tilespmem:s15], [sflag:$0x1] =	stream.indirect.gather [hbm4b:s4+s14], $0x40, s25, s14, $0xb8;
	[tilespmem:$0x12F00] =	vst v63  }
0x52: {  	_ =	swait.ge [sflag:s16], $0x2000  }
0x53: {  	[sflag:s16] =	ssyncset.done $0x0  }
0x54: {  	[sflag:s16] =	ssyncadd.s32 $0xFFFFE000  }
0x55: {  	_ =	swait.ge [sflag:s20], $0x2000  }
0x56: {  	[sflag:s20] =	ssyncset.done $0x0  }
0x57: {  	s29 =	sadd.s32 $0x4E80, s24;
	[sflag:s20] =	ssyncadd.s32 $0xFFFFE000  }
0x58: {  	[spmem:s2] =	stream.indirect.scatter.add.f32 [tilespmem:s15], [sflag:$0x2], $0x40, s29, s14, $0xb8;
	[tilespmem:$0x12F00] =	vst v63  }
0x59: {  	s30 =	sadd.s32 $0x2780, s24  }
0x5a: {  	[tilespmem:s17], [sflag:$0x1] =	stream.indirect.gather [hbm4b:s4+s14], $0x40, s30, s14, $0xb8;
	[tilespmem:$0x12F00] =	vst v63  }
0x5b: {  	_ =	swait.ge [sflag:s16], $0x2000  }
0x5c: {  	[sflag:s16] =	ssyncset.done $0x0  }
0x5d: {  	[sflag:s16] =	ssyncadd.s32 $0xFFFFE000  }
0x5e: {  	_ =	swait.ge [sflag:s18], $0x2000  }
0x5f: {  	[sflag:s18] =	ssyncset.done $0x0  }
0x60: {  	s31 =	sadd.s32 $0x4F00, s24;
	[sflag:s18] =	ssyncadd.s32 $0xFFFFE000  }
0x61: {  	[spmem:s2] =	stream.indirect.scatter.add.f32 [tilespmem:s17], [sflag:$0x3], $0x40, s31, s14, $0xb8;
	[tilespmem:$0x12F00] =	vst v63  }
0x62: {  	_ = 	snop  }
0x63: {  	[tilespmem:s15], [sflag:$0x1] =	stream.indirect.gather [hbm4b:s4+s14], $0x40, s21, s14, $0xb8;
	[tilespmem:$0x12F00] =	vst v63  }
0x64: {  	_ =	swait.ge [sflag:s16], $0x2000  }
0x65: {  	[sflag:s16] =	ssyncset.done $0x0  }
0x66: {  	[sflag:s16] =	ssyncadd.s32 $0xFFFFE000  }
0x67: {  	_ =	swait.ge [sflag:s20], $0x2000  }
0x68: {  	[sflag:s20] =	ssyncset.done $0x0  }
0x69: {  	[sflag:s20] =	ssyncadd.s32 $0xFFFFE000  }
0x6a: {  	[spmem:s2] =	stream.indirect.scatter.add.f32 [tilespmem:s15], [sflag:$0x2], $0x40, s22, s14, $0xb8;
	[tilespmem:$0x12F00] =	vst v63  }
0x6b: {  	_ =	swait.ge [sflag:s18], $0x2000  }
0x6c: {  	s23 =	sadd.s32 $0x1, s23;
	[sflag:s18] =	ssyncset.done $0x0  }
0x6d: {  	p0 =	sne.s32 s23, s10;
	[sflag:s18] =	ssyncadd.s32 $0xFFFFE000  }
.Ltmp1:
0x6e: {  	[bflag:$0x0] =	sbarrier.arrive $0xFFFF;
	(pc) =	sbr.rel @p0 .LBB2_1-.Ltmp1, $4  }
0x6f: {  	[hbm:s9], [sflag:s6] =	dma.local [spmem:s11], $0x1400  }
0x70: {  	_ =	swait.ge [sflag:s12], $0x1400  }
0x71: {  	[sflag:s12] =	ssyncset.done $0x0  }
0x72: {  	[sflag:s12] =	ssyncadd.s32 $0xFFFFEC00  }
0x73: {  	_ =	sfence.sel $0x180000  }
0x74: {  	[bflag:$0x0] =	sbarrier.arrive $0xFFFF  }
0x75: {  	p0 =	sne.s32 s1, $0x0;
	_ =	strace $0x9000004D  }
0x76: {  	s0 =	sadd.s32 @!p0 $0x100000, s0;
	[bflag:$0x2] =	sbarrier.arrive $0xFFFF  }
0x77: {  	[sflag:s0] =	ssyncadd.tile.s32 @!p0 $0x1;
	_ =	shalt  }
.Lfunc_end2:
_tile_overlayer_lowered:
.L_overlay_start_2:
0x78: {  	(tag) =	ssettag $0x2  }
0x79: {  	s0 =	rddreg [dreg:$0x0];
	s2 =	stileid.u32  }
0x7a: {  	s1 =	rddreg [dreg:$0x1];
	p0 =	sne.s32 s2, $0x0  }
0x7b: {  	s3 =	rddreg [dreg:$0x2];
	[bflag:$0x3] =	sbarrier.arrive $0xFFFF;
	s2 =	simm.s32 @!p0 $0x1C04  }
0x7c: {  	[timem:s3], [sflag:s2] =	dma.local @!p0 [hbm:s0], s1  }
0x7d: {  	s0 =	simm.s32 @!p0 $0x4  }
0x7e: {  	_ =	swait.ge @!p0 [sflag:s0], s1  }
0x7f: {  	s1 =	ssub.s32 @!p0 $0x0, s1;
	[sflag:s0] =	ssyncset.done @!p0 $0x0  }
0x80: {  	[sflag:s0] =	ssyncadd.s32 @!p0 s1  }
0x81: {  	[bflag:$0x3] =	sbarrier.arrive $0xFFFF  }
0x82: {  	_ =	shalt  }

// kernel: kernel.8.cloned.1.call-start
scs
__scs_entry_jumppad:
0x0: {  	(pc) =	sbr.rel $0x88, $3  }
0x1: {  	(tag) =	ssettag $0x0;
	lr =	simm.s32 $0x1  }
0x2: {  	[smem:$0x3F97] =	sst lr;
	_ =	strace $0xD0000000  }
0x3: {  	_ = 	snop  }
0x4: {  	_ = 	snop  }
0x5: {  	_ = 	snop  }
0x6: {  	_ = 	snop  }
0x7: {  	_ = 	snop  }
__scs_overlays_trampoline_lowered:
0x8: {  	[smem:$0x3FA6] =	sst s0  }
0x9: {  	[smem:$0x3FA7] =	sst s1  }
0xa: {  	[smem:$0x3FA8] =	sst s2  }
0xb: {  	[smem:$0x3FA9] =	sst s3  }
0xc: {  	[smem:$0x3FAA] =	sst s4  }
0xd: {  	[smem:$0x3FAB] =	sst s5  }
0xe: {  	[smem:$0x3FAC] =	sst s6  }
0xf: {  	[smem:$0x3FAD] =	sst s7  }
0x10: {  	[smem:$0x3FAE] =	sst s8  }
0x11: {  	[smem:$0x3FAF] =	sst s9;
	s0 =	simm.s32 @!p0 $0x0  }
0x12: {  	s1 =	sld [smem:$0x3F95];
	s0 =	simm.s32 @p0 $0x1  }
0x13: {  	[smem:$0x3FB0] =	sst s0;
	s0 =	simm.s32 @!p1 $0x0  }
0x14: {  	s2 =	sld [smem:$0x3F94];
	s0 =	simm.s32 @p1 $0x1  }
0x15: {  	[smem:$0x3FB1] =	sst s0;
	s0 =	simm.s32 @!p2 $0x0  }
0x16: {  	s3 =	sld [smem:$0x3FDB];
	s0 =	simm.s32 @p2 $0x1  }
0x17: {  	s4 =	simm.s32 $0x1BF5;
	[smem:$0x3FB3] =	sst s0  }
0x18: {  	s0 =	sld [smem:$0x3F96];
	_ =	swait.ge [sflag:s4], $0x0  }
0x19: {  	s7 =	sld [smem:$0x3F97]  }
0x1a: {  	s8 =	sadd.s32 $0xFFFFE003, lr  }
0x1b: {  	s9 =	sadd.s32 $0xFFFFFEF7, lr;
	s5 =	simm.s32 $0xFFFFFFFF;
	p2 =	slt.u32 s8, $0xFFFFF086  }
0x1c: {  	p1 =	slt.u32 s9, $0xF7A;
	s5 =	simm.s32 @!p2 $0x0  }
0x1d: {  	s5 =	simm.s32 @p1 $0x1;
	p0 =	seq.s32 s7, s2  }
0x1e: {  	s7 =	smul.u32 @!p0 $0xF7A, s2;
	p2 =	seq.s32 @!p0 s5, $0x0  }
0x1f: {  	s9 =	smul.u32 $0xF7A, s1;
	s8 =	simm.s32 @!p0 $0x1BF5;
	p2 =	por !p2, p0  }
0x20: {  	[sflag:s8] =	ssyncset.s32 @!p0 $0xFFFFF086;
	s6 =	sadd.s32 @!p0 s3, s7;
	s7 =	simm.s32 @!p0 $0x108  }
0x21: {  	s3 =	sadd.s32 s3, s9;
	s6 =	sadd.s32 @!p0 $0x88, s6;
	s7 =	simm.s32 @p2 $0x1082  }
0x22: {  	[simem:s7], [sflag:s8] =	dma.local @!p0 [hbm:s6], $0xF7A  }
0x23: {  	s9 =	sor.u32 $0xD0000000, s2;
	s6 =	simm.s32 $0x108;
	_ =	swait.ge @!p0 [sflag:s8], $0x0  }
0x24: {  	s3 =	sadd.s32 $0x88, s3;
	s6 =	simm.s32 @!p1 $0x1082;
	[sflag:s4] =	ssyncset.s32 $0xFFFFF086  }
0x25: {  	[simem:s6], [sflag:s4] =	dma.local [hbm:s3], $0xF7A  }
0x26: {  	[smem:$0x3F97] =	sst s1;
	(tag) =	ssettag s2;
	_ =	strace s9  }
0x27: {  	s1 =	sld [smem:$0x3FA7]  }
0x28: {  	s2 =	sld [smem:$0x3FA8]  }
0x29: {  	s4 =	sld [smem:$0x3FAA]  }
0x2a: {  	p0 =	seq.s32 s5, $0x0;
	s5 =	sld [smem:$0x3FAB]  }
0x2b: {  	s6 =	sld [smem:$0x3FAC]  }
0x2c: {  	s7 =	sld [smem:$0x3FAD]  }
0x2d: {  	s3 =	simm.s32 $0x108;
	s8 =	sld [smem:$0x3FAE]  }
0x2e: {  	s3 =	simm.s32 @!p0 $0x1082;
	s9 =	sld [smem:$0x3FAF]  }
0x2f: {  	lr =	sadd.s32 s0, s3;
	s0 =	sld [smem:$0x3FA6]  }
0x30: {  	s3 =	sld [smem:$0x3FA9]  }
0x31: {  	[smem:$0x3FB2] =	sst s10  }
0x32: {  	s10 =	sld [smem:$0x3FB0];
	_ =	sdelay $0x3  }
0x33: {  	p0 =	seq.s32 s10, $0x1;
	s10 =	sld [smem:$0x3FB2];
	_ =	sdelay $0x3  }
0x34: {  	[smem:$0x3FB2] =	sst s10  }
0x35: {  	s10 =	sld [smem:$0x3FB1];
	_ =	sdelay $0x3  }
0x36: {  	p1 =	seq.s32 s10, $0x1;
	s10 =	sld [smem:$0x3FB2];
	_ =	sdelay $0x3  }
0x37: {  	[smem:$0x3FB2] =	sst s10  }
0x38: {  	s10 =	sld [smem:$0x3FB3]  }
0x39: {  	_ = 	snop;
	(pc) =	sbr.ind lr, $3  }
0x3a: {  	_ = 	snop  }
0x3b: {  	_ = 	snop  }
0x3c: {  	p2 =	seq.s32 s10, $0x1;
	s10 =	sld [smem:$0x3FB2]  }
0x3d: {  	_ =	shalt  }
0x3e: {  	_ =	shalt  }
0x3f: {  	_ =	shalt  }
0x40: {  	_ =	shalt  }
0x41: {  	_ =	shalt  }
0x42: {  	_ =	shalt  }
0x43: {  	_ =	shalt  }
0x44: {  	_ =	shalt  }
0x45: {  	_ =	shalt  }
0x46: {  	_ =	shalt  }
0x47: {  	_ =	shalt  }
0x48: {  	_ =	shalt  }
0x49: {  	_ =	shalt  }
0x4a: {  	_ =	shalt  }
0x4b: {  	_ =	shalt  }
0x4c: {  	_ =	shalt  }
0x4d: {  	_ =	shalt  }
0x4e: {  	_ =	shalt  }
0x4f: {  	_ =	shalt  }
0x50: {  	_ =	shalt  }
0x51: {  	_ =	shalt  }
0x52: {  	_ =	shalt  }
0x53: {  	_ =	shalt  }
0x54: {  	_ =	shalt  }
0x55: {  	_ =	shalt  }
0x56: {  	_ =	shalt  }
0x57: {  	_ =	shalt  }
0x58: {  	_ =	shalt  }
0x59: {  	_ =	shalt  }
0x5a: {  	_ =	shalt  }
0x5b: {  	_ =	shalt  }
0x5c: {  	_ =	shalt  }
0x5d: {  	_ =	shalt  }
0x5e: {  	_ =	shalt  }
0x5f: {  	_ =	shalt  }
0x60: {  	_ =	shalt  }
0x61: {  	_ =	shalt  }
0x62: {  	_ =	shalt  }
0x63: {  	_ =	shalt  }
0x64: {  	_ =	shalt  }
0x65: {  	_ =	shalt  }
0x66: {  	_ =	shalt  }
0x67: {  	_ =	shalt  }
0x68: {  	_ =	shalt  }
0x69: {  	_ =	shalt  }
0x6a: {  	_ =	shalt  }
0x6b: {  	_ =	shalt  }
0x6c: {  	_ =	shalt  }
0x6d: {  	_ =	shalt  }
0x6e: {  	_ =	shalt  }
0x6f: {  	_ =	shalt  }
0x70: {  	_ =	shalt  }
0x71: {  	_ =	shalt  }
0x72: {  	_ =	shalt  }
0x73: {  	_ =	shalt  }
0x74: {  	_ =	shalt  }
0x75: {  	_ =	shalt  }
0x76: {  	_ =	shalt  }
0x77: {  	_ =	shalt  }
0x78: {  	_ =	shalt  }
0x79: {  	_ =	shalt  }
0x7a: {  	_ =	shalt  }
0x7b: {  	_ =	shalt  }
0x7c: {  	_ =	shalt  }
0x7d: {  	_ =	shalt  }
0x7e: {  	_ =	shalt  }
0x7f: {  	_ =	shalt  }
0x80: {  	_ =	shalt  }
0x81: {  	_ =	shalt  }
0x82: {  	_ =	shalt  }
0x83: {  	_ =	shalt  }
0x84: {  	_ =	shalt  }
0x85: {  	_ =	shalt  }
0x86: {  	_ =	shalt  }
0x87: {  	_ =	shalt  }
.Lfunc_end0:
.L_simem_size_0:
called_computation_lowered:
.L_overlay_start_0:
0x88: {  	s2 =	sld [smem:$0x3FD9]  }
0x89: {  	s3 =	sld [smem:$0x3FFE];
	_ =	sdelay $0x1  }
0x8a: {  	s1 =	srdreg.scid  }
0x8b: {  	s0 =	sand.u32 $0x1, s1  }
0x8c: {  	s16 =	sshll.u32 s0, $0xA;
	s2 =	sadd.s32 s3, s2  }
0x8d: {  	s2 =	sadd.s32 s2, s16  }
0x8e: {  	[smem:$0x3FBE] =	sst s2  }
0x8f: {  	_ = 	snop  }
0x90: {  	(tm) =	ssettm $0x1  }
0x91: {  	s17 =	sld [smem:$0x3FFB];
	_ =	sdelay $0x3  }
0x92: {  	_ =	strace s17  }
0x93: {  	s2 =	sld [smem:$0x3FFC];
	_ =	sdelay $0x3  }
0x94: {  	_ =	strace s2  }
0x95: {  	s2 =	sld [smem:$0x3FFD];
	_ =	sdelay $0x3  }
0x96: {  	_ =	strace s2  }
0x97: {  	_ =	strace $0x8FFFFFFF  }
0x98: {  	s18 =	sld [smem:$0x3FDB];
	_ =	sdelay $0x1  }
0x99: {  	s19 =	simm.s32 $_scs_section_size  }
0x9a: {  	s4 =	simm.s32 $_size__tile_overlayer_lowered;
	s5 =	simm.s32 $_tile_overlayer_lowered  }
0x9b: {  	s22 =	simm.s32 $0x1BFF;
	s21 =	sshll.u32 s5, $0x1;
	s2 =	sadd.s32 s19, s18  }
0x9c: {  	s6 =	simm.s32 $0x0;
	s20 =	sshll.u32 s4, $0x1;
	s4 =	sadd.s32 s21, s2  }
0x9d: {  	[timem:s6], [sflag:s22] =	dma.local [hbm:s4], s20  }
0x9e: {  	_ =	swait.ge [sflag:s22], s20  }
0x9f: {  	s3 =	ssub.s32 $0x0, s20;
	[sflag:s22] =	ssyncset.done $0x0  }
0xa0: {  	[sflag:s22] =	ssyncadd.s32 s3;
	_ =	sdelay $0x1  }
0xa1: {  	s23 =	simm.s32 $0x1B8B  }
0xa2: {  	_ =	swait.ge [sflag:s23], $0x1  }
0xa3: {  	[sflag:s23] =	ssyncset.done $0x0  }
0xa4: {  	s25 =	simm.s32 $0x1B8E;
	s24 =	sld [smem:$0x3FFE];
	[sflag:s23] =	ssyncadd.s32 $0xFFFFFFFF  }
0xa5: {  	s26 =	simm.s32 $execute0_lowered;
	[smem:$0x3FD2] =	sst s25  }
0xa6: {  	s4 =	sshll.u32 s26, $0x1;
	_ =	strace $0x80000046;
	[dreg:$0x1] =	wrdreg $0xFFFFFFFF  }
0xa7: {  	s28 =	simm.s32 $_size_execute0_lowered;
	s2 =	sadd.s32 s2, s4;
	[dreg:$0x0] =	wrdreg $0x0  }
0xa8: {  	s4 =	sshll.u32 s28, $0x1;
	[dreg:$0x2] =	wrdreg s2  }
0xa9: {  	[dreg:$0x3] =	wrdreg s4  }
0xaa: {  	[dreg:$0x4] =	wrdreg $0xC0  }
0xab: {  	_ =	task [dreg:s6], $0x5FFFF  }
0xac: {  	[dreg:$0x1] =	wrdreg $0xFFFFFFFF  }
0xad: {  	[dreg:$0x0] =	wrdreg $0x60  }
0xae: {  	[dreg:$0x2] =	wrdreg s24  }
0xaf: {  	[dreg:$0x3] =	wrdreg $0x2F800  }
0xb0: {  	[dreg:$0x4] =	wrdreg $0x9  }
0xb1: {  	_ =	task.clear_ibuf [dreg:s6], $0x5FFFF;
	_ =	strace $0x90000046  }
0xb2: {  	s29 =	simm.s32 $0x9;
	_ =	strace $0x80000048  }
0xb3: {  	_ =	swait.ge [sflag:s29], $0x1  }
0xb4: {  	[sflag:s29] =	ssyncadd.s32 $0xFFFFFFFF  }
0xb5: {  	_ =	strace $0x90000048  }
0xb6: {  	_ =	sfence  }
0xb7: {  	s30 =	sld [smem:$0x0];
	_ =	sdelay $0x2  }
0xb8: {  	s31 =	sshll.u32 s1, $0xD;
	s1 =	sshrl.u32 s1, $0x2  }
0xb9: {  	s3 =	sand.u32 $0x4000, s31;
	s1 =	sadd.s32 s1, s30  }
0xba: {  	s0 =	sor.u32 s3, s0;
	s1 =	sshll.u32 s1, $0x11  }
0xbb: {  	s0 =	sor.u32 s1, s0  }
0xbc: {  	s0 =	sadd.s32 $0x8F2B, s0  }
0xbd: {  	[sflag:s0] =	ssyncadd.remote.s32 $0x1  }
0xbe: {  	_ =	sfence.sel $0xFFFF  }
0xbf: {  	[dreg:$0x0] =	wrdreg $0xFFFFFFFF;
	(pc) =	sbr.abs _section_cstart, $3  }
0xc0: {  	[dreg:$0x1] =	wrdreg $0xFFFFFFFF  }
0xc1: {  	_ =	task.clear_ibuf [dreg:s6], $0x2FFFF;
	_ =	strace $0x9FFFFFFF  }
0xc2: {  	(tm) =	ssettm $0x7FFFFFFF  }
0xc3: {  	_ =	shalt  }
tec
execute0_lowered:
.L_overlay_start_1:
0x0: {  	(tag) =	ssettag $0x1  }
0x1: {  	s0 =	srdreg.scid;
	s7 =	rddreg [dreg:$0x0]  }
0x2: {  	s2 =	rddreg [dreg:$0x1];
	s3 =	simm.s32 $0x0;
	s14 =	simm.s32 $0x1  }
0x3: {  	s15 =	simm.s32 $0x0;
	s6 =	sand.u32 $0x1, s0;
	s0 =	stileid.u32  }
0x4: {  	[smem:$0x7FF] =	sst s3;
	s1 =	sshll.u32 s6, $0x4;
	s8 =	smul.u32 $0x2800, s0  }
0x5: {  	s5 =	smul.u32 $0x28000, s6;
	s6 =	ssub.s32 $0x2, s6;
	s1 =	sor.u32 s0, s1  }
0x6: {  	s11 =	sshll.u32 s0, $0x6;
	s31 =	sshrl.u32 s6, $0x1;
	s4 =	smul.u32 $0x4F0, s1  }
0x7: {  	s1 =	rddreg [dreg:$0x2];
	_ =	strace $0x80000047;
	s10 =	sadd.s32 s8, s5  }
0x8: {  	s5 =	sadd.s32 $0xB800, s7;
	s12 =	ssub.s32 s6, s31;
	s13 =	sadd.s32 s8, s2  }
0x9: {  	s6 =	sor.u32 $0x1C02, s11;
	s11 =	simm.s32 $0x2;
	s10 =	sshrl.u32 s10, $0x3  }
0xa: {  	s9 =	sadd.s32 s4, s7;
	s4 =	sadd.s32 $0xBE00, s7;
	s10 =	sadd.s32 s10, s7  }
0xb: {  	s7 =	sadd.s32 $0x1A00, s9;
	s8 =	sadd.s32 $0xC000, s10;
	s9 =	smax.u32 s12, $0x1  }
0xc: {  	s10 =	sshrl.u32 s13, $0x3;
	s12 =	simm.s32 $0x2780;
	s13 =	simm.s32 $0x80  }
.LBB2_1:
0xd: {  	[spmem:s10], [sflag:s6] =	dma.local [hbm:s5], $0x500  }
0xe: {  	_ =	swait.ge [sflag:s11], $0x500  }
0xf: {  	[sflag:s11] =	ssyncset.done $0x0  }
0x10: {  	[sflag:s11] =	ssyncadd.s32 $0xFFFFFB00  }
0x11: {  	[tilespmem:s3], [sflag:$0x2] =	stream.linear.gather [hbm4b:s7+s3], $0x2780, $0x38;
	[tilespmem:$0x5780] =	vst v63  }
0x12: {  	_ =	swait.ge [sflag:s11], $0x2780  }
0x13: {  	[sflag:s11] =	ssyncset.done $0x0  }
0x14: {  	[sflag:s11] =	ssyncadd.s32 $0xFFFFD880  }
0x15: {  	[tilespmem:s12], [sflag:$0x2] =	stream.linear.gather [hbm4b:s4+s3], $0x800, $0x38;
	[tilespmem:$0x5780] =	vst v63  }
0x16: {  	_ =	swait.ge [sflag:s11], $0x800  }
0x17: {  	[sflag:s11] =	ssyncset.done $0x0  }
0x18: {  	[sflag:s11] =	ssyncadd.s32 $0xFFFFF800  }
0x19: {  	s16 =	simm.s32 $0x0;
	[bflag:$0x0] =	sbarrier.arrive $0xFFFF  }
.LBB2_2:
0x1a: {  	p0 =	sne.s32 s16, $0x9C00  }
.Ltmp0:
0x1b: {  	_ = 	snop;
	(pc) =	sbr.rel @p0 .LBB2_2-.Ltmp0, $3  }
0x1c: {  	_ =	sdelay $0x1  }
0x1d: {  	s17 =	sshra.s32 s16, $0x2;
	s16 =	sadd.s32 $0x200, s16  }
0x1e: {  	[spmem:s2] =	stream.indirect.scatter.add.f32 [tilespmem:s12], [sflag:$0x1], $0x10, s17, s13, $0xb8;
	[tilespmem:$0x5780] =	vst v63  }
0x1f: {  	_ =	swait.ge [sflag:s14], $0x800  }
0x20: {  	s16 =	simm.s32 $0x4E;
	[sflag:s14] =	ssyncset.done $0x0  }
.LBB2_4:
0x21: {  	p0 =	sne.s32 s16, $0x1;
	s16 =	sadd.s32 $0xFFFFFFFF, s16;
	[sflag:s14] =	ssyncadd.s32 $0xFFFFF800  }
.Ltmp1:
0x22: {  	(pc) =	sbr.rel @p0 .LBB2_4-.Ltmp1, $3  }
0x23: {  	_ =	sdelay $0x1  }
0x24: {  	_ =	swait.ge [sflag:s14], $0x800  }
0x25: {  	[sflag:s14] =	ssyncset.done $0x0  }
0x26: {  	s15 =	sadd.s32 $0x1, s15  }
0x27: {  	[sflag:s14] =	ssyncadd.s32 $0xFFFFF800;
	p0 =	sne.s32 s15, s9  }
.Ltmp2:
0x28: {  	[bflag:$0x0] =	sbarrier.arrive $0xFFFF;
	(pc) =	sbr.rel @p0 .LBB2_1-.Ltmp2, $4  }
0x29: {  	[hbm:s8], [sflag:s6] =	dma.local [spmem:s10], $0x500  }
0x2a: {  	_ =	swait.ge [sflag:s11], $0x500  }
0x2b: {  	[sflag:s11] =	ssyncset.done $0x0  }
0x2c: {  	[sflag:s11] =	ssyncadd.s32 $0xFFFFFB00  }
0x2d: {  	_ =	sfence.sel $0x180000  }
0x2e: {  	[bflag:$0x0] =	sbarrier.arrive $0xFFFF  }
0x2f: {  	p0 =	sne.s32 s0, $0x0;
	_ =	strace $0x90000047  }
0x30: {  	s0 =	sadd.s32 @!p0 $0x100000, s1;
	[bflag:$0x2] =	sbarrier.arrive $0xFFFF  }
0x31: {  	[sflag:s0] =	ssyncadd.tile.s32 @!p0 $0x1;
	_ =	shalt  }
.Lfunc_end2:
_tile_overlayer_lowered:
.L_overlay_start_2:
0x32: {  	(tag) =	ssettag $0x2  }
0x33: {  	s0 =	rddreg [dreg:$0x0];
	s2 =	stileid.u32  }
0x34: {  	s1 =	rddreg [dreg:$0x1];
	p0 =	sne.s32 s2, $0x0  }
0x35: {  	s3 =	rddreg [dreg:$0x2];
	[bflag:$0x3] =	sbarrier.arrive $0xFFFF;
	s2 =	simm.s32 @!p0 $0x1C02  }
0x36: {  	[timem:s3], [sflag:s2] =	dma.local @!p0 [hbm:s0], s1  }
0x37: {  	s0 =	simm.s32 @!p0 $0x2  }
0x38: {  	_ =	swait.ge @!p0 [sflag:s0], s1  }
0x39: {  	s1 =	ssub.s32 @!p0 $0x0, s1;
	[sflag:s0] =	ssyncset.done @!p0 $0x0  }
0x3a: {  	[sflag:s0] =	ssyncadd.s32 @!p0 s1  }
0x3b: {  	[bflag:$0x3] =	sbarrier.arrive $0xFFFF  }
0x3c: {  	_ =	shalt  }

</sc_bundles>
